<compile_context>
chip_gen: v7x
topology: tpu7x:2x2x1
jax: 0.10.2.dev20260603
libtpu: 0.0.44.dev20260713+nightly
codegen_flags: <defaults>
</compile_context>

<pallas_src>
import functools

import jax
import jax.numpy as jnp
from jax import lax
from jax.experimental import pallas as pl
from jax.experimental.pallas import tpu as pltpu
from jax.experimental.pallas import tpu_sc as plsc

_V = 100
_E = 128
_P = 6
_R = 64
_VP = 128
_NW = 32
_CHUNK = 128


def _table_body(embed_ref, pjb_ref, uab_ref, waw_ref, g_ref):
    emb = embed_ref[...]
    w12 = jnp.sum(uab_ref[...] * waw_ref[...], axis=0, keepdims=True)
    w1 = w12[:, :_E]
    w2 = w12[:, _E:]
    iota_u = lax.broadcasted_iota(jnp.int32, (_VP, _VP), 1)
    scores = []
    ejs_all = []
    for p in range(_P):
        pj = pjb_ref[p * _VP:(p + 1) * _VP, :]
        oh = (pj == iota_u).astype(jnp.float32)
        ejs = jnp.dot(oh, emb, preferred_element_type=jnp.float32)
        ei_m = jnp.where(ejs != 0.0, emb, 0.0)
        s = jnp.sum(ei_m * w1 + ejs * w2, axis=1, keepdims=True)
        amask = jnp.sum(ejs, axis=1, keepdims=True) == 0.0
        scores.append(jnp.where(amask, -1e10, s))
        ejs_all.append(ejs)
    m = scores[0]
    for s in scores[1:]:
        m = jnp.maximum(m, s)
    es = [jnp.exp(s - m) for s in scores]
    z = es[0]
    for e in es[1:]:
        z = z + e
    g = (es[0] / z) * ejs_all[0]
    for e, ejs in zip(es[1:], ejs_all[1:]):
        g = g + (e / z) * ejs
    g_ref[...] = g


def _build_table(embed, Wa_w, ua, path_map):
    embed_p = jnp.pad(embed, ((0, _VP - _V), (0, 0)))
    pm_p = jnp.pad(path_map, ((0, _VP - _V), (0, 0)))
    pjb = jnp.broadcast_to(pm_p.T.reshape(_P * _VP, 1), (_P * _VP, _VP))
    uab = jnp.broadcast_to(ua.reshape(_R, 1), (_R, 2 * _E))
    return pl.pallas_call(
        _table_body,
        out_shape=jax.ShapeDtypeStruct((_VP, _E), jnp.float32),
    )(embed_p, pjb, uab, Wa_w)


def _gather_rows(table, xs):
    B, L = xs.shape
    rows_pw = B // _NW
    mesh = plsc.VectorSubcoreMesh(core_axis_name="c", subcore_axis_name="s")

    G = 8
    ngr = rows_pw // G

    @functools.partial(
        pl.kernel, mesh=mesh,
        out_type=jax.ShapeDtypeStruct((B, L, _E), jnp.float32),
        compiler_params=pltpu.CompilerParams(use_tc_tiling_on_sc=True,
                                             needs_layout_passes=True),
        scratch_types=[
            pltpu.VMEM((rows_pw, L), jnp.int32),
            pltpu.VMEM((G, L, _E), jnp.float32),
            pltpu.VMEM((G, L, _E), jnp.float32),
            pltpu.SemaphoreType.DMA,
            pltpu.SemaphoreType.DMA,
            pltpu.SemaphoreType.DMA,
            pltpu.SemaphoreType.DMA,
        ],
    )
    def k(table_hbm, idx_hbm, out_hbm, idx_v, buf0, buf1,
          gsem0, gsem1, wsem0, wsem1):
        wid = lax.axis_index("s") * 2 + lax.axis_index("c")
        base = wid * rows_pw
        pltpu.sync_copy(idx_hbm.at[pl.ds(base, rows_pw)], idx_v)

        bufs = (buf0, buf1)
        gsems = (gsem0, gsem1)
        wsems = (wsem0, wsem1)

        def fire(g, b):
            for q in range(G):
                pltpu.async_copy(table_hbm.at[idx_v.at[g * G + q]],
                                 bufs[b].at[q], gsems[b])

        def drain(g, b):
            for q in range(G):
                pltpu.make_async_copy(table_hbm.at[idx_v.at[g * G + q]],
                                      bufs[b].at[q], gsems[b]).wait()

        def write_start(g, b):
            pltpu.async_copy(bufs[b], out_hbm.at[pl.ds(base + g * G, G)],
                             wsems[b])

        def write_wait(g, b):
            pltpu.make_async_copy(bufs[b], out_hbm.at[pl.ds(base + g * G, G)],
                                  wsems[b]).wait()

        fire(0, 0)
        for g in range(ngr):
            b = g % 2
            if g + 1 < ngr:
                if g >= 1:
                    write_wait(g - 1, 1 - b)
                fire(g + 1, 1 - b)
            drain(g, b)
            write_start(g, b)
        write_wait(ngr - 1, (ngr - 1) % 2)
        if ngr >= 2:
            write_wait(ngr - 2, ngr % 2)

    return k(table, xs)


def kernel(xs, embed, Wa_w, Wa_b, ua, path_map):
    del Wa_b
    B, L = xs.shape
    table = _build_table(embed, Wa_w, ua, path_map)
    assert B % _NW == 0
    return _gather_rows(table, xs)

# --- scband reference (transcript-rebuilt; emitter-appended) ---
"""Pipeline reference for scband-embedding-layer-43533788512430 (READ-ONLY COPY).

The authoritative reference and input builder live on the scoring server;
editing this copy changes nothing except your own understanding.
"""

import jax, jax.numpy as jnp
import numpy as np

V = 100   # vocab_size
E = 128   # embed_size
R = 64    # attention dim r
B = 1024  # batch
L = 50    # seq len (hist_len)
P = 6     # number of path ancestors per token (hard-coded via repeat_interleave(...,6))

def setup_inputs(seed: int = 0) -> dict:
    key = jax.random.key(seed)
    k1, k2, k3, k4, k5 = jax.random.split(key, 5)
    xs = jax.random.randint(k1, (B, L), 0, V).astype(jnp.int32)
    embed = jax.random.normal(k2, (V, E), dtype=jnp.float32) * 0.001
    embed = embed.at[0].set(0.0)  # padding_idx=0 row zeroed
    lim = 1.0 / np.sqrt(2 * E)
    Wa_w = jax.random.uniform(k3, (R, 2 * E), minval=-lim, maxval=lim, dtype=jnp.float32)
    Wa_b = jax.random.uniform(k4, (R,), minval=-lim, maxval=lim, dtype=jnp.float32)
    ua = jax.random.normal(k5, (1, 1, 1, R), dtype=jnp.float32)
    # same path_map as the JSON literal in init_kwargs: row i = [(i+1)%V, ..., (i+6)%V]
    path_map = ((jnp.arange(V)[:, None] + jnp.arange(1, P + 1)[None, :]) % V).astype(jnp.int32)
    return {"xs": xs, "embed": embed, "Wa_w": Wa_w, "Wa_b": Wa_b, "ua": ua, "path_map": path_map}

def reference(xs, embed, Wa_w, Wa_b, ua, path_map):
    eis = jnp.take(embed, xs, axis=0)                      # [B, L, E]
    eis_ = jnp.repeat(eis[:, :, None, :], P, axis=2)       # [B, L, P, E]
    pj = jnp.take(path_map, xs, axis=0)                    # [B, L, P]
    ejs = jnp.take(embed, pj, axis=0)                      # [B, L, P, E]
    xs_mask = (ejs == 0)
    alpha_mask = (ejs.sum(axis=-1) == 0)                   # [B, L, P]
    eis_ = jnp.where(xs_mask, 0.0, eis_)
    cat = jnp.concatenate([eis_, ejs], axis=-1)            # [B, L, P, 2E]
    score = (ua * (cat @ Wa_w.T + Wa_b)).sum(axis=-1)      # [B, L, P]
    score = jnp.where(alpha_mask, -1e10, score)
    alpha = jax.nn.softmax(score, axis=-1)
    gis = (alpha[..., None] * ejs).sum(axis=-2)            # [B, L, E]
    return gis

if __name__ == "__main__":
    import jax
    _d = setup_inputs()
    print(jax.jit(kernel)(*tuple(_d.values())))

</pallas_src>

<mosaic_0001>
#map = affine_map<(d0, d1) -> (0, 0)>
#map1 = affine_map<(d0, d1) -> (0, 0, 0)>
module attributes {stable_mosaic.version = 14 : i64} {
  func.func @k(%arg0: i32, %arg1: i32, %arg2: memref<128x128xf32, #tpu.memory_space<hbm>>, %arg3: memref<1024x50xi32, #tpu.memory_space<hbm>>, %arg4: memref<1024x50x128xf32, #tpu.memory_space<hbm>>, %arg5: memref<32x50xi32, #tpu.memory_space<vmem>>, %arg6: memref<8x50x128xf32, #tpu.memory_space<vmem>>, %arg7: memref<8x50x128xf32, #tpu.memory_space<vmem>>, %arg8: memref<!tpu.dma_semaphore, #tpu.memory_space<semaphore_mem>>, %arg9: memref<!tpu.dma_semaphore, #tpu.memory_space<semaphore_mem>>, %arg10: memref<!tpu.dma_semaphore, #tpu.memory_space<semaphore_mem>>, %arg11: memref<!tpu.dma_semaphore, #tpu.memory_space<semaphore_mem>>) attributes {dimension_semantics = [#tpu.dimension_semantics<core_parallel>, #tpu.dimension_semantics<subcore_parallel>], iteration_bounds = array<i64: 2, 16>, scalar_prefetch = 0 : i64, scratch_operands = 7 : i64, tpu.core_type = #tpu.core_type<sc_vector_subcore>, window_params = [{transform_indices = #map}, {transform_indices = #map}, {transform_indices = #map1}]} {
    %mul3A = arith.constant 2 : i32
    %mul3A_0 = arith.muli %arg1, %mul3A : i32
    %add3A = arith.addi %mul3A_0, %arg0 : i32
    %mul3A_1 = arith.constant 32 : i32
    %mul3A_2 = arith.muli %add3A, %mul3A_1 : i32
    "tpu.region"() ({
      %run_scoped3A = tpu.sem_alloc : memref<!tpu.dma_semaphore, #tpu.memory_space<semaphore_mem>>
      %dma_start3A_833 = arith.constant 0 : i32
      %dma_start3A_834 = tpu.memref_slice %arg3[%mul3A_2, %dma_start3A_833] : memref<1024x50xi32, #tpu.memory_space<hbm>> -> memref<32x50xi32, #tpu.memory_space<hbm>>
      %dma_start3A_835 = arith.constant 0 : i32
      %dma_start3A_836 = tpu.memref_slice %arg3[%mul3A_2, %dma_start3A_835] : memref<1024x50xi32, #tpu.memory_space<hbm>> -> memref<32x50xi32, #tpu.memory_space<hbm>>
      tpu.enqueue_dma source(%dma_start3A_836 : memref<32x50xi32, #tpu.memory_space<hbm>>) target(%arg5 : memref<32x50xi32, #tpu.memory_space<vmem>>) target_semaphore(%run_scoped3A : memref<!tpu.dma_semaphore, #tpu.memory_space<semaphore_mem>>)
      %dma_wait3A_837 = arith.constant 0 : i32
      %dma_wait3A_838 = tpu.memref_slice %arg3[%mul3A_2, %dma_wait3A_837] : memref<1024x50xi32, #tpu.memory_space<hbm>> -> memref<32x50xi32, #tpu.memory_space<hbm>>
      %dma_wait3A_839 = arith.constant 0 : i32
      %dma_wait3A_840 = tpu.memref_slice %arg3[%mul3A_2, %dma_wait3A_839] : memref<1024x50xi32, #tpu.memory_space<hbm>> -> memref<32x50xi32, #tpu.memory_space<hbm>>
      tpu.wait_dma2 semaphore(%run_scoped3A : memref<!tpu.dma_semaphore, #tpu.memory_space<semaphore_mem>>) src(%dma_wait3A_840 : memref<32x50xi32, #tpu.memory_space<hbm>>) dst(%arg5 : memref<32x50xi32, #tpu.memory_space<vmem>>)
      tpu.yield
    }) : () -> ()
    %dma_start3A = arith.constant 0 : i32
    %dma_start3A_3 = arith.constant 0 : i32
    %dma_start3A_4 = arith.constant 0 : i32
    %dma_start3A_5 = arith.constant 0 : i32
    %dma_start3A_6 = tpu.memref_slice %arg6[%dma_start3A_3, %dma_start3A_4, %dma_start3A_5] : memref<8x50x128xf32, #tpu.memory_space<vmem>> -> memref<1x50x128xf32, #tpu.memory_space<vmem>>
    %dma_start3A_7 = tpu.memref_squeeze %dma_start3A_6 : memref<1x50x128xf32, #tpu.memory_space<vmem>> -> memref<50x128xf32, #tpu.memory_space<vmem>>
    %dma_start3A_8 = arith.constant 0 : i32
    %dma_start3A_9 = tpu.memref_slice %arg5[%dma_start3A, %dma_start3A_8] : memref<32x50xi32, #tpu.memory_space<vmem>> -> memref<1x50xi32, #tpu.memory_space<vmem>>
    %dma_start3A_10 = tpu.memref_squeeze %dma_start3A_9 : memref<1x50xi32, #tpu.memory_space<vmem>> -> memref<50xi32, #tpu.memory_space<vmem>>
    %dma_start3A_11 = arith.constant 0 : i32
    %dma_start3A_12 = arith.constant 0 : i32
    %dma_start3A_13 = tpu.memref_slice %arg2[%dma_start3A_11, %dma_start3A_12] : memref<128x128xf32, #tpu.memory_space<hbm>> -> memref<128x128xf32, #tpu.memory_space<hbm>>
    tpu.enqueue_indirect_dma source(%dma_start3A_13 : memref<128x128xf32, #tpu.memory_space<hbm>>) target(%dma_start3A_7 : memref<50x128xf32, #tpu.memory_space<vmem>>) offsets(%dma_start3A_10 : memref<50xi32, #tpu.memory_space<vmem>>) semaphore(%arg8 : memref<!tpu.dma_semaphore, #tpu.memory_space<semaphore_mem>>)
    %dma_start3A_14 = arith.constant 1 : i32
    %dma_start3A_15 = arith.constant 1 : i32
    %dma_start3A_16 = arith.constant 0 : i32
    %dma_start3A_17 = arith.constant 0 : i32
    %dma_start3A_18 = tpu.memref_slice %arg6[%dma_start3A_15, %dma_start3A_16, %dma_start3A_17] : memref<8x50x128xf32, #tpu.memory_space<vmem>> -> memref<1x50x128xf32, #tpu.memory_space<vmem>>
    %dma_start3A_19 = tpu.memref_squeeze %dma_start3A_18 : memref<1x50x128xf32, #tpu.memory_space<vmem>> -> memref<50x128xf32, #tpu.memory_space<vmem>>
    %dma_start3A_20 = arith.constant 0 : i32
    %dma_start3A_21 = tpu.memref_slice %arg5[%dma_start3A_14, %dma_start3A_20] : memref<32x50xi32, #tpu.memory_space<vmem>> -> memref<1x50xi32, #tpu.memory_space<vmem>>
    %dma_start3A_22 = tpu.memref_squeeze %dma_start3A_21 : memref<1x50xi32, #tpu.memory_space<vmem>> -> memref<50xi32, #tpu.memory_space<vmem>>
    %dma_start3A_23 = arith.constant 0 : i32
    %dma_start3A_24 = arith.constant 0 : i32
    %dma_start3A_25 = tpu.memref_slice %arg2[%dma_start3A_23, %dma_start3A_24] : memref<128x128xf32, #tpu.memory_space<hbm>> -> memref<128x128xf32, #tpu.memory_space<hbm>>
    tpu.enqueue_indirect_dma source(%dma_start3A_25 : memref<128x128xf32, #tpu.memory_space<hbm>>) target(%dma_start3A_19 : memref<50x128xf32, #tpu.memory_space<vmem>>) offsets(%dma_start3A_22 : memref<50xi32, #tpu.memory_space<vmem>>) semaphore(%arg8 : memref<!tpu.dma_semaphore, #tpu.memory_space<semaphore_mem>>)
    %dma_start3A_26 = arith.constant 2 : i32
    %dma_start3A_27 = arith.constant 2 : i32
    %dma_start3A_28 = arith.constant 0 : i32
    %dma_start3A_29 = arith.constant 0 : i32
    %dma_start3A_30 = tpu.memref_slice %arg6[%dma_start3A_27, %dma_start3A_28, %dma_start3A_29] : memref<8x50x128xf32, #tpu.memory_space<vmem>> -> memref<1x50x128xf32, #tpu.memory_space<vmem>>
    %dma_start3A_31 = tpu.memref_squeeze %dma_start3A_30 : memref<1x50x128xf32, #tpu.memory_space<vmem>> -> memref<50x128xf32, #tpu.memory_space<vmem>>
    %dma_start3A_32 = arith.constant 0 : i32
    %dma_start3A_33 = tpu.memref_slice %arg5[%dma_start3A_26, %dma_start3A_32] : memref<32x50xi32, #tpu.memory_space<vmem>> -> memref<1x50xi32, #tpu.memory_space<vmem>>
    %dma_start3A_34 = tpu.memref_squeeze %dma_start3A_33 : memref<1x50xi32, #tpu.memory_space<vmem>> -> memref<50xi32, #tpu.memory_space<vmem>>
    %dma_start3A_35 = arith.constant 0 : i32
    %dma_start3A_36 = arith.constant 0 : i32
    %dma_start3A_37 = tpu.memref_slice %arg2[%dma_start3A_35, %dma_start3A_36] : memref<128x128xf32, #tpu.memory_space<hbm>> -> memref<128x128xf32, #tpu.memory_space<hbm>>
    tpu.enqueue_indirect_dma source(%dma_start3A_37 : memref<128x128xf32, #tpu.memory_space<hbm>>) target(%dma_start3A_31 : memref<50x128xf32, #tpu.memory_space<vmem>>) offsets(%dma_start3A_34 : memref<50xi32, #tpu.memory_space<vmem>>) semaphore(%arg8 : memref<!tpu.dma_semaphore, #tpu.memory_space<semaphore_mem>>)
    %dma_start3A_38 = arith.constant 3 : i32
    %dma_start3A_39 = arith.constant 3 : i32
    %dma_start3A_40 = arith.constant 0 : i32
    %dma_start3A_41 = arith.constant 0 : i32
    %dma_start3A_42 = tpu.memref_slice %arg6[%dma_start3A_39, %dma_start3A_40, %dma_start3A_41] : memref<8x50x128xf32, #tpu.memory_space<vmem>> -> memref<1x50x128xf32, #tpu.memory_space<vmem>>
    %dma_start3A_43 = tpu.memref_squeeze %dma_start3A_42 : memref<1x50x128xf32, #tpu.memory_space<vmem>> -> memref<50x128xf32, #tpu.memory_space<vmem>>
    %dma_start3A_44 = arith.constant 0 : i32
    %dma_start3A_45 = tpu.memref_slice %arg5[%dma_start3A_38, %dma_start3A_44] : memref<32x50xi32, #tpu.memory_space<vmem>> -> memref<1x50xi32, #tpu.memory_space<vmem>>
    %dma_start3A_46 = tpu.memref_squeeze %dma_start3A_45 : memref<1x50xi32, #tpu.memory_space<vmem>> -> memref<50xi32, #tpu.memory_space<vmem>>
    %dma_start3A_47 = arith.constant 0 : i32
    %dma_start3A_48 = arith.constant 0 : i32
    %dma_start3A_49 = tpu.memref_slice %arg2[%dma_start3A_47, %dma_start3A_48] : memref<128x128xf32, #tpu.memory_space<hbm>> -> memref<128x128xf32, #tpu.memory_space<hbm>>
    tpu.enqueue_indirect_dma source(%dma_start3A_49 : memref<128x128xf32, #tpu.memory_space<hbm>>) target(%dma_start3A_43 : memref<50x128xf32, #tpu.memory_space<vmem>>) offsets(%dma_start3A_46 : memref<50xi32, #tpu.memory_space<vmem>>) semaphore(%arg8 : memref<!tpu.dma_semaphore, #tpu.memory_space<semaphore_mem>>)
    %dma_start3A_50 = arith.constant 4 : i32
    %dma_start3A_51 = arith.constant 4 : i32
    %dma_start3A_52 = arith.constant 0 : i32
    %dma_start3A_53 = arith.constant 0 : i32
    %dma_start3A_54 = tpu.memref_slice %arg6[%dma_start3A_51, %dma_start3A_52, %dma_start3A_53] : memref<8x50x128xf32, #tpu.memory_space<vmem>> -> memref<1x50x128xf32, #tpu.memory_space<vmem>>
    %dma_start3A_55 = tpu.memref_squeeze %dma_start3A_54 : memref<1x50x128xf32, #tpu.memory_space<vmem>> -> memref<50x128xf32, #tpu.memory_space<vmem>>
    %dma_start3A_56 = arith.constant 0 : i32
    %dma_start3A_57 = tpu.memref_slice %arg5[%dma_start3A_50, %dma_start3A_56] : memref<32x50xi32, #tpu.memory_space<vmem>> -> memref<1x50xi32, #tpu.memory_space<vmem>>
    %dma_start3A_58 = tpu.memref_squeeze %dma_start3A_57 : memref<1x50xi32, #tpu.memory_space<vmem>> -> memref<50xi32, #tpu.memory_space<vmem>>
    %dma_start3A_59 = arith.constant 0 : i32
    %dma_start3A_60 = arith.constant 0 : i32
    %dma_start3A_61 = tpu.memref_slice %arg2[%dma_start3A_59, %dma_start3A_60] : memref<128x128xf32, #tpu.memory_space<hbm>> -> memref<128x128xf32, #tpu.memory_space<hbm>>
    tpu.enqueue_indirect_dma source(%dma_start3A_61 : memref<128x128xf32, #tpu.memory_space<hbm>>) target(%dma_start3A_55 : memref<50x128xf32, #tpu.memory_space<vmem>>) offsets(%dma_start3A_58 : memref<50xi32, #tpu.memory_space<vmem>>) semaphore(%arg8 : memref<!tpu.dma_semaphore, #tpu.memory_space<semaphore_mem>>)
    %dma_start3A_62 = arith.constant 5 : i32
    %dma_start3A_63 = arith.constant 5 : i32
    %dma_start3A_64 = arith.constant 0 : i32
    %dma_start3A_65 = arith.constant 0 : i32
    %dma_start3A_66 = tpu.memref_slice %arg6[%dma_start3A_63, %dma_start3A_64, %dma_start3A_65] : memref<8x50x128xf32, #tpu.memory_space<vmem>> -> memref<1x50x128xf32, #tpu.memory_space<vmem>>
    %dma_start3A_67 = tpu.memref_squeeze %dma_start3A_66 : memref<1x50x128xf32, #tpu.memory_space<vmem>> -> memref<50x128xf32, #tpu.memory_space<vmem>>
    %dma_start3A_68 = arith.constant 0 : i32
    %dma_start3A_69 = tpu.memref_slice %arg5[%dma_start3A_62, %dma_start3A_68] : memref<32x50xi32, #tpu.memory_space<vmem>> -> memref<1x50xi32, #tpu.memory_space<vmem>>
    %dma_start3A_70 = tpu.memref_squeeze %dma_start3A_69 : memref<1x50xi32, #tpu.memory_space<vmem>> -> memref<50xi32, #tpu.memory_space<vmem>>
    %dma_start3A_71 = arith.constant 0 : i32
    %dma_start3A_72 = arith.constant 0 : i32
    %dma_start3A_73 = tpu.memref_slice %arg2[%dma_start3A_71, %dma_start3A_72] : memref<128x128xf32, #tpu.memory_space<hbm>> -> memref<128x128xf32, #tpu.memory_space<hbm>>
    tpu.enqueue_indirect_dma source(%dma_start3A_73 : memref<128x128xf32, #tpu.memory_space<hbm>>) target(%dma_start3A_67 : memref<50x128xf32, #tpu.memory_space<vmem>>) offsets(%dma_start3A_70 : memref<50xi32, #tpu.memory_space<vmem>>) semaphore(%arg8 : memref<!tpu.dma_semaphore, #tpu.memory_space<semaphore_mem>>)
    %dma_start3A_74 = arith.constant 6 : i32
    %dma_start3A_75 = arith.constant 6 : i32
    %dma_start3A_76 = arith.constant 0 : i32
    %dma_start3A_77 = arith.constant 0 : i32
    %dma_start3A_78 = tpu.memref_slice %arg6[%dma_start3A_75, %dma_start3A_76, %dma_start3A_77] : memref<8x50x128xf32, #tpu.memory_space<vmem>> -> memref<1x50x128xf32, #tpu.memory_space<vmem>>
    %dma_start3A_79 = tpu.memref_squeeze %dma_start3A_78 : memref<1x50x128xf32, #tpu.memory_space<vmem>> -> memref<50x128xf32, #tpu.memory_space<vmem>>
    %dma_start3A_80 = arith.constant 0 : i32
    %dma_start3A_81 = tpu.memref_slice %arg5[%dma_start3A_74, %dma_start3A_80] : memref<32x50xi32, #tpu.memory_space<vmem>> -> memref<1x50xi32, #tpu.memory_space<vmem>>
    %dma_start3A_82 = tpu.memref_squeeze %dma_start3A_81 : memref<1x50xi32, #tpu.memory_space<vmem>> -> memref<50xi32, #tpu.memory_space<vmem>>
    %dma_start3A_83 = arith.constant 0 : i32
    %dma_start3A_84 = arith.constant 0 : i32
    %dma_start3A_85 = tpu.memref_slice %arg2[%dma_start3A_83, %dma_start3A_84] : memref<128x128xf32, #tpu.memory_space<hbm>> -> memref<128x128xf32, #tpu.memory_space<hbm>>
    tpu.enqueue_indirect_dma source(%dma_start3A_85 : memref<128x128xf32, #tpu.memory_space<hbm>>) target(%dma_start3A_79 : memref<50x128xf32, #tpu.memory_space<vmem>>) offsets(%dma_start3A_82 : memref<50xi32, #tpu.memory_space<vmem>>) semaphore(%arg8 : memref<!tpu.dma_semaphore, #tpu.memory_space<semaphore_mem>>)
    %dma_start3A_86 = arith.constant 7 : i32
    %dma_start3A_87 = arith.constant 7 : i32
    %dma_start3A_88 = arith.constant 0 : i32
    %dma_start3A_89 = arith.constant 0 : i32
    %dma_start3A_90 = tpu.memref_slice %arg6[%dma_start3A_87, %dma_start3A_88, %dma_start3A_89] : memref<8x50x128xf32, #tpu.memory_space<vmem>> -> memref<1x50x128xf32, #tpu.memory_space<vmem>>
    %dma_start3A_91 = tpu.memref_squeeze %dma_start3A_90 : memref<1x50x128xf32, #tpu.memory_space<vmem>> -> memref<50x128xf32, #tpu.memory_space<vmem>>
    %dma_start3A_92 = arith.constant 0 : i32
    %dma_start3A_93 = tpu.memref_slice %arg5[%dma_start3A_86, %dma_start3A_92] : memref<32x50xi32, #tpu.memory_space<vmem>> -> memref<1x50xi32, #tpu.memory_space<vmem>>
    %dma_start3A_94 = tpu.memref_squeeze %dma_start3A_93 : memref<1x50xi32, #tpu.memory_space<vmem>> -> memref<50xi32, #tpu.memory_space<vmem>>
    %dma_start3A_95 = arith.constant 0 : i32
    %dma_start3A_96 = arith.constant 0 : i32
    %dma_start3A_97 = tpu.memref_slice %arg2[%dma_start3A_95, %dma_start3A_96] : memref<128x128xf32, #tpu.memory_space<hbm>> -> memref<128x128xf32, #tpu.memory_space<hbm>>
    tpu.enqueue_indirect_dma source(%dma_start3A_97 : memref<128x128xf32, #tpu.memory_space<hbm>>) target(%dma_start3A_91 : memref<50x128xf32, #tpu.memory_space<vmem>>) offsets(%dma_start3A_94 : memref<50xi32, #tpu.memory_space<vmem>>) semaphore(%arg8 : memref<!tpu.dma_semaphore, #tpu.memory_space<semaphore_mem>>)
    %dma_start3A_98 = arith.constant 8 : i32
    %dma_start3A_99 = arith.constant 0 : i32
    %dma_start3A_100 = arith.constant 0 : i32
    %dma_start3A_101 = arith.constant 0 : i32
    %dma_start3A_102 = tpu.memref_slice %arg7[%dma_start3A_99, %dma_start3A_100, %dma_start3A_101] : memref<8x50x128xf32, #tpu.memory_space<vmem>> -> memref<1x50x128xf32, #tpu.memory_space<vmem>>
    %dma_start3A_103 = tpu.memref_squeeze %dma_start3A_102 : memref<1x50x128xf32, #tpu.memory_space<vmem>> -> memref<50x128xf32, #tpu.memory_space<vmem>>
    %dma_start3A_104 = arith.constant 0 : i32
    %dma_start3A_105 = tpu.memref_slice %arg5[%dma_start3A_98, %dma_start3A_104] : memref<32x50xi32, #tpu.memory_space<vmem>> -> memref<1x50xi32, #tpu.memory_space<vmem>>
    %dma_start3A_106 = tpu.memref_squeeze %dma_start3A_105 : memref<1x50xi32, #tpu.memory_space<vmem>> -> memref<50xi32, #tpu.memory_space<vmem>>
    %dma_start3A_107 = arith.constant 0 : i32
    %dma_start3A_108 = arith.constant 0 : i32
    %dma_start3A_109 = tpu.memref_slice %arg2[%dma_start3A_107, %dma_start3A_108] : memref<128x128xf32, #tpu.memory_space<hbm>> -> memref<128x128xf32, #tpu.memory_space<hbm>>
    tpu.enqueue_indirect_dma source(%dma_start3A_109 : memref<128x128xf32, #tpu.memory_space<hbm>>) target(%dma_start3A_103 : memref<50x128xf32, #tpu.memory_space<vmem>>) offsets(%dma_start3A_106 : memref<50xi32, #tpu.memory_space<vmem>>) semaphore(%arg9 : memref<!tpu.dma_semaphore, #tpu.memory_space<semaphore_mem>>)
    %dma_start3A_110 = arith.constant 9 : i32
    %dma_start3A_111 = arith.constant 1 : i32
    %dma_start3A_112 = arith.constant 0 : i32
    %dma_start3A_113 = arith.constant 0 : i32
    %dma_start3A_114 = tpu.memref_slice %arg7[%dma_start3A_111, %dma_start3A_112, %dma_start3A_113] : memref<8x50x128xf32, #tpu.memory_space<vmem>> -> memref<1x50x128xf32, #tpu.memory_space<vmem>>
    %dma_start3A_115 = tpu.memref_squeeze %dma_start3A_114 : memref<1x50x128xf32, #tpu.memory_space<vmem>> -> memref<50x128xf32, #tpu.memory_space<vmem>>
    %dma_start3A_116 = arith.constant 0 : i32
    %dma_start3A_117 = tpu.memref_slice %arg5[%dma_start3A_110, %dma_start3A_116] : memref<32x50xi32, #tpu.memory_space<vmem>> -> memref<1x50xi32, #tpu.memory_space<vmem>>
    %dma_start3A_118 = tpu.memref_squeeze %dma_start3A_117 : memref<1x50xi32, #tpu.memory_space<vmem>> -> memref<50xi32, #tpu.memory_space<vmem>>
    %dma_start3A_119 = arith.constant 0 : i32
    %dma_start3A_120 = arith.constant 0 : i32
    %dma_start3A_121 = tpu.memref_slice %arg2[%dma_start3A_119, %dma_start3A_120] : memref<128x128xf32, #tpu.memory_space<hbm>> -> memref<128x128xf32, #tpu.memory_space<hbm>>
    tpu.enqueue_indirect_dma source(%dma_start3A_121 : memref<128x128xf32, #tpu.memory_space<hbm>>) target(%dma_start3A_115 : memref<50x128xf32, #tpu.memory_space<vmem>>) offsets(%dma_start3A_118 : memref<50xi32, #tpu.memory_space<vmem>>) semaphore(%arg9 : memref<!tpu.dma_semaphore, #tpu.memory_space<semaphore_mem>>)
    %dma_start3A_122 = arith.constant 10 : i32
    %dma_start3A_123 = arith.constant 2 : i32
    %dma_start3A_124 = arith.constant 0 : i32
    %dma_start3A_125 = arith.constant 0 : i32
    %dma_start3A_126 = tpu.memref_slice %arg7[%dma_start3A_123, %dma_start3A_124, %dma_start3A_125] : memref<8x50x128xf32, #tpu.memory_space<vmem>> -> memref<1x50x128xf32, #tpu.memory_space<vmem>>
    %dma_start3A_127 = tpu.memref_squeeze %dma_start3A_126 : memref<1x50x128xf32, #tpu.memory_space<vmem>> -> memref<50x128xf32, #tpu.memory_space<vmem>>
    %dma_start3A_128 = arith.constant 0 : i32
    %dma_start3A_129 = tpu.memref_slice %arg5[%dma_start3A_122, %dma_start3A_128] : memref<32x50xi32, #tpu.memory_space<vmem>> -> memref<1x50xi32, #tpu.memory_space<vmem>>
    %dma_start3A_130 = tpu.memref_squeeze %dma_start3A_129 : memref<1x50xi32, #tpu.memory_space<vmem>> -> memref<50xi32, #tpu.memory_space<vmem>>
    %dma_start3A_131 = arith.constant 0 : i32
    %dma_start3A_132 = arith.constant 0 : i32
    %dma_start3A_133 = tpu.memref_slice %arg2[%dma_start3A_131, %dma_start3A_132] : memref<128x128xf32, #tpu.memory_space<hbm>> -> memref<128x128xf32, #tpu.memory_space<hbm>>
    tpu.enqueue_indirect_dma source(%dma_start3A_133 : memref<128x128xf32, #tpu.memory_space<hbm>>) target(%dma_start3A_127 : memref<50x128xf32, #tpu.memory_space<vmem>>) offsets(%dma_start3A_130 : memref<50xi32, #tpu.memory_space<vmem>>) semaphore(%arg9 : memref<!tpu.dma_semaphore, #tpu.memory_space<semaphore_mem>>)
    %dma_start3A_134 = arith.constant 11 : i32
    %dma_start3A_135 = arith.constant 3 : i32
    %dma_start3A_136 = arith.constant 0 : i32
    %dma_start3A_137 = arith.constant 0 : i32
    %dma_start3A_138 = tpu.memref_slice %arg7[%dma_start3A_135, %dma_start3A_136, %dma_start3A_137] : memref<8x50x128xf32, #tpu.memory_space<vmem>> -> memref<1x50x128xf32, #tpu.memory_space<vmem>>
    %dma_start3A_139 = tpu.memref_squeeze %dma_start3A_138 : memref<1x50x128xf32, #tpu.memory_space<vmem>> -> memref<50x128xf32, #tpu.memory_space<vmem>>
    %dma_start3A_140 = arith.constant 0 : i32
    %dma_start3A_141 = tpu.memref_slice %arg5[%dma_start3A_134, %dma_start3A_140] : memref<32x50xi32, #tpu.memory_space<vmem>> -> memref<1x50xi32, #tpu.memory_space<vmem>>
    %dma_start3A_142 = tpu.memref_squeeze %dma_start3A_141 : memref<1x50xi32, #tpu.memory_space<vmem>> -> memref<50xi32, #tpu.memory_space<vmem>>
    %dma_start3A_143 = arith.constant 0 : i32
    %dma_start3A_144 = arith.constant 0 : i32
    %dma_start3A_145 = tpu.memref_slice %arg2[%dma_start3A_143, %dma_start3A_144] : memref<128x128xf32, #tpu.memory_space<hbm>> -> memref<128x128xf32, #tpu.memory_space<hbm>>
    tpu.enqueue_indirect_dma source(%dma_start3A_145 : memref<128x128xf32, #tpu.memory_space<hbm>>) target(%dma_start3A_139 : memref<50x128xf32, #tpu.memory_space<vmem>>) offsets(%dma_start3A_142 : memref<50xi32, #tpu.memory_space<vmem>>) semaphore(%arg9 : memref<!tpu.dma_semaphore, #tpu.memory_space<semaphore_mem>>)
    %dma_start3A_146 = arith.constant 12 : i32
    %dma_start3A_147 = arith.constant 4 : i32
    %dma_start3A_148 = arith.constant 0 : i32
    %dma_start3A_149 = arith.constant 0 : i32
    %dma_start3A_150 = tpu.memref_slice %arg7[%dma_start3A_147, %dma_start3A_148, %dma_start3A_149] : memref<8x50x128xf32, #tpu.memory_space<vmem>> -> memref<1x50x128xf32, #tpu.memory_space<vmem>>
    %dma_start3A_151 = tpu.memref_squeeze %dma_start3A_150 : memref<1x50x128xf32, #tpu.memory_space<vmem>> -> memref<50x128xf32, #tpu.memory_space<vmem>>
    %dma_start3A_152 = arith.constant 0 : i32
    %dma_start3A_153 = tpu.memref_slice %arg5[%dma_start3A_146, %dma_start3A_152] : memref<32x50xi32, #tpu.memory_space<vmem>> -> memref<1x50xi32, #tpu.memory_space<vmem>>
    %dma_start3A_154 = tpu.memref_squeeze %dma_start3A_153 : memref<1x50xi32, #tpu.memory_space<vmem>> -> memref<50xi32, #tpu.memory_space<vmem>>
    %dma_start3A_155 = arith.constant 0 : i32
    %dma_start3A_156 = arith.constant 0 : i32
    %dma_start3A_157 = tpu.memref_slice %arg2[%dma_start3A_155, %dma_start3A_156] : memref<128x128xf32, #tpu.memory_space<hbm>> -> memref<128x128xf32, #tpu.memory_space<hbm>>
    tpu.enqueue_indirect_dma source(%dma_start3A_157 : memref<128x128xf32, #tpu.memory_space<hbm>>) target(%dma_start3A_151 : memref<50x128xf32, #tpu.memory_space<vmem>>) offsets(%dma_start3A_154 : memref<50xi32, #tpu.memory_space<vmem>>) semaphore(%arg9 : memref<!tpu.dma_semaphore, #tpu.memory_space<semaphore_mem>>)
    %dma_start3A_158 = arith.constant 13 : i32
    %dma_start3A_159 = arith.constant 5 : i32
    %dma_start3A_160 = arith.constant 0 : i32
    %dma_start3A_161 = arith.constant 0 : i32
    %dma_start3A_162 = tpu.memref_slice %arg7[%dma_start3A_159, %dma_start3A_160, %dma_start3A_161] : memref<8x50x128xf32, #tpu.memory_space<vmem>> -> memref<1x50x128xf32, #tpu.memory_space<vmem>>
    %dma_start3A_163 = tpu.memref_squeeze %dma_start3A_162 : memref<1x50x128xf32, #tpu.memory_space<vmem>> -> memref<50x128xf32, #tpu.memory_space<vmem>>
    %dma_start3A_164 = arith.constant 0 : i32
    %dma_start3A_165 = tpu.memref_slice %arg5[%dma_start3A_158, %dma_start3A_164] : memref<32x50xi32, #tpu.memory_space<vmem>> -> memref<1x50xi32, #tpu.memory_space<vmem>>
    %dma_start3A_166 = tpu.memref_squeeze %dma_start3A_165 : memref<1x50xi32, #tpu.memory_space<vmem>> -> memref<50xi32, #tpu.memory_space<vmem>>
    %dma_start3A_167 = arith.constant 0 : i32
    %dma_start3A_168 = arith.constant 0 : i32
    %dma_start3A_169 = tpu.memref_slice %arg2[%dma_start3A_167, %dma_start3A_168] : memref<128x128xf32, #tpu.memory_space<hbm>> -> memref<128x128xf32, #tpu.memory_space<hbm>>
    tpu.enqueue_indirect_dma source(%dma_start3A_169 : memref<128x128xf32, #tpu.memory_space<hbm>>) target(%dma_start3A_163 : memref<50x128xf32, #tpu.memory_space<vmem>>) offsets(%dma_start3A_166 : memref<50xi32, #tpu.memory_space<vmem>>) semaphore(%arg9 : memref<!tpu.dma_semaphore, #tpu.memory_space<semaphore_mem>>)
    %dma_start3A_170 = arith.constant 14 : i32
    %dma_start3A_171 = arith.constant 6 : i32
    %dma_start3A_172 = arith.constant 0 : i32
    %dma_start3A_173 = arith.constant 0 : i32
    %dma_start3A_174 = tpu.memref_slice %arg7[%dma_start3A_171, %dma_start3A_172, %dma_start3A_173] : memref<8x50x128xf32, #tpu.memory_space<vmem>> -> memref<1x50x128xf32, #tpu.memory_space<vmem>>
    %dma_start3A_175 = tpu.memref_squeeze %dma_start3A_174 : memref<1x50x128xf32, #tpu.memory_space<vmem>> -> memref<50x128xf32, #tpu.memory_space<vmem>>
    %dma_start3A_176 = arith.constant 0 : i32
    %dma_start3A_177 = tpu.memref_slice %arg5[%dma_start3A_170, %dma_start3A_176] : memref<32x50xi32, #tpu.memory_space<vmem>> -> memref<1x50xi32, #tpu.memory_space<vmem>>
    %dma_start3A_178 = tpu.memref_squeeze %dma_start3A_177 : memref<1x50xi32, #tpu.memory_space<vmem>> -> memref<50xi32, #tpu.memory_space<vmem>>
    %dma_start3A_179 = arith.constant 0 : i32
    %dma_start3A_180 = arith.constant 0 : i32
    %dma_start3A_181 = tpu.memref_slice %arg2[%dma_start3A_179, %dma_start3A_180] : memref<128x128xf32, #tpu.memory_space<hbm>> -> memref<128x128xf32, #tpu.memory_space<hbm>>
    tpu.enqueue_indirect_dma source(%dma_start3A_181 : memref<128x128xf32, #tpu.memory_space<hbm>>) target(%dma_start3A_175 : memref<50x128xf32, #tpu.memory_space<vmem>>) offsets(%dma_start3A_178 : memref<50xi32, #tpu.memory_space<vmem>>) semaphore(%arg9 : memref<!tpu.dma_semaphore, #tpu.memory_space<semaphore_mem>>)
    %dma_start3A_182 = arith.constant 15 : i32
    %dma_start3A_183 = arith.constant 7 : i32
    %dma_start3A_184 = arith.constant 0 : i32
    %dma_start3A_185 = arith.constant 0 : i32
    %dma_start3A_186 = tpu.memref_slice %arg7[%dma_start3A_183, %dma_start3A_184, %dma_start3A_185] : memref<8x50x128xf32, #tpu.memory_space<vmem>> -> memref<1x50x128xf32, #tpu.memory_space<vmem>>
    %dma_start3A_187 = tpu.memref_squeeze %dma_start3A_186 : memref<1x50x128xf32, #tpu.memory_space<vmem>> -> memref<50x128xf32, #tpu.memory_space<vmem>>
    %dma_start3A_188 = arith.constant 0 : i32
    %dma_start3A_189 = tpu.memref_slice %arg5[%dma_start3A_182, %dma_start3A_188] : memref<32x50xi32, #tpu.memory_space<vmem>> -> memref<1x50xi32, #tpu.memory_space<vmem>>
    %dma_start3A_190 = tpu.memref_squeeze %dma_start3A_189 : memref<1x50xi32, #tpu.memory_space<vmem>> -> memref<50xi32, #tpu.memory_space<vmem>>
    %dma_start3A_191 = arith.constant 0 : i32
    %dma_start3A_192 = arith.constant 0 : i32
    %dma_start3A_193 = tpu.memref_slice %arg2[%dma_start3A_191, %dma_start3A_192] : memref<128x128xf32, #tpu.memory_space<hbm>> -> memref<128x128xf32, #tpu.memory_space<hbm>>
    tpu.enqueue_indirect_dma source(%dma_start3A_193 : memref<128x128xf32, #tpu.memory_space<hbm>>) target(%dma_start3A_187 : memref<50x128xf32, #tpu.memory_space<vmem>>) offsets(%dma_start3A_190 : memref<50xi32, #tpu.memory_space<vmem>>) semaphore(%arg9 : memref<!tpu.dma_semaphore, #tpu.memory_space<semaphore_mem>>)
    %dma_wait3A = arith.constant 0 : i32
    %dma_wait3A_194 = arith.constant 0 : i32
    %dma_wait3A_195 = arith.constant 0 : i32
    %dma_wait3A_196 = arith.constant 0 : i32
    %dma_wait3A_197 = tpu.memref_slice %arg6[%dma_wait3A_194, %dma_wait3A_195, %dma_wait3A_196] : memref<8x50x128xf32, #tpu.memory_space<vmem>> -> memref<1x50x128xf32, #tpu.memory_space<vmem>>
    %dma_wait3A_198 = tpu.memref_squeeze %dma_wait3A_197 : memref<1x50x128xf32, #tpu.memory_space<vmem>> -> memref<50x128xf32, #tpu.memory_space<vmem>>
    %dma_wait3A_199 = arith.constant 0 : i32
    %dma_wait3A_200 = tpu.memref_slice %arg5[%dma_wait3A, %dma_wait3A_199] : memref<32x50xi32, #tpu.memory_space<vmem>> -> memref<1x50xi32, #tpu.memory_space<vmem>>
    %dma_wait3A_201 = tpu.memref_squeeze %dma_wait3A_200 : memref<1x50xi32, #tpu.memory_space<vmem>> -> memref<50xi32, #tpu.memory_space<vmem>>
    %dma_wait3A_202 = arith.constant 0 : i32
    %dma_wait3A_203 = arith.constant 0 : i32
    %dma_wait3A_204 = tpu.memref_slice %arg2[%dma_wait3A_202, %dma_wait3A_203] : memref<128x128xf32, #tpu.memory_space<hbm>> -> memref<128x128xf32, #tpu.memory_space<hbm>>
    tpu.wait_indirect_dma semaphore(%arg8 : memref<!tpu.dma_semaphore, #tpu.memory_space<semaphore_mem>>) src(%dma_wait3A_204 : memref<128x128xf32, #tpu.memory_space<hbm>>) dst(%dma_wait3A_198 : memref<50x128xf32, #tpu.memory_space<vmem>>)
    %dma_wait3A_205 = arith.constant 1 : i32
    %dma_wait3A_206 = arith.constant 1 : i32
    %dma_wait3A_207 = arith.constant 0 : i32
    %dma_wait3A_208 = arith.constant 0 : i32
    %dma_wait3A_209 = tpu.memref_slice %arg6[%dma_wait3A_206, %dma_wait3A_207, %dma_wait3A_208] : memref<8x50x128xf32, #tpu.memory_space<vmem>> -> memref<1x50x128xf32, #tpu.memory_space<vmem>>
    %dma_wait3A_210 = tpu.memref_squeeze %dma_wait3A_209 : memref<1x50x128xf32, #tpu.memory_space<vmem>> -> memref<50x128xf32, #tpu.memory_space<vmem>>
    %dma_wait3A_211 = arith.constant 0 : i32
    %dma_wait3A_212 = tpu.memref_slice %arg5[%dma_wait3A_205, %dma_wait3A_211] : memref<32x50xi32, #tpu.memory_space<vmem>> -> memref<1x50xi32, #tpu.memory_space<vmem>>
    %dma_wait3A_213 = tpu.memref_squeeze %dma_wait3A_212 : memref<1x50xi32, #tpu.memory_space<vmem>> -> memref<50xi32, #tpu.memory_space<vmem>>
    %dma_wait3A_214 = arith.constant 0 : i32
    %dma_wait3A_215 = arith.constant 0 : i32
    %dma_wait3A_216 = tpu.memref_slice %arg2[%dma_wait3A_214, %dma_wait3A_215] : memref<128x128xf32, #tpu.memory_space<hbm>> -> memref<128x128xf32, #tpu.memory_space<hbm>>
    tpu.wait_indirect_dma semaphore(%arg8 : memref<!tpu.dma_semaphore, #tpu.memory_space<semaphore_mem>>) src(%dma_wait3A_216 : memref<128x128xf32, #tpu.memory_space<hbm>>) dst(%dma_wait3A_210 : memref<50x128xf32, #tpu.memory_space<vmem>>)
    %dma_wait3A_217 = arith.constant 2 : i32
    %dma_wait3A_218 = arith.constant 2 : i32
    %dma_wait3A_219 = arith.constant 0 : i32
    %dma_wait3A_220 = arith.constant 0 : i32
    %dma_wait3A_221 = tpu.memref_slice %arg6[%dma_wait3A_218, %dma_wait3A_219, %dma_wait3A_220] : memref<8x50x128xf32, #tpu.memory_space<vmem>> -> memref<1x50x128xf32, #tpu.memory_space<vmem>>
    %dma_wait3A_222 = tpu.memref_squeeze %dma_wait3A_221 : memref<1x50x128xf32, #tpu.memory_space<vmem>> -> memref<50x128xf32, #tpu.memory_space<vmem>>
    %dma_wait3A_223 = arith.constant 0 : i32
    %dma_wait3A_224 = tpu.memref_slice %arg5[%dma_wait3A_217, %dma_wait3A_223] : memref<32x50xi32, #tpu.memory_space<vmem>> -> memref<1x50xi32, #tpu.memory_space<vmem>>
    %dma_wait3A_225 = tpu.memref_squeeze %dma_wait3A_224 : memref<1x50xi32, #tpu.memory_space<vmem>> -> memref<50xi32, #tpu.memory_space<vmem>>
    %dma_wait3A_226 = arith.constant 0 : i32
    %dma_wait3A_227 = arith.constant 0 : i32
    %dma_wait3A_228 = tpu.memref_slice %arg2[%dma_wait3A_226, %dma_wait3A_227] : memref<128x128xf32, #tpu.memory_space<hbm>> -> memref<128x128xf32, #tpu.memory_space<hbm>>
    tpu.wait_indirect_dma semaphore(%arg8 : memref<!tpu.dma_semaphore, #tpu.memory_space<semaphore_mem>>) src(%dma_wait3A_228 : memref<128x128xf32, #tpu.memory_space<hbm>>) dst(%dma_wait3A_222 : memref<50x128xf32, #tpu.memory_space<vmem>>)
    %dma_wait3A_229 = arith.constant 3 : i32
    %dma_wait3A_230 = arith.constant 3 : i32
    %dma_wait3A_231 = arith.constant 0 : i32
    %dma_wait3A_232 = arith.constant 0 : i32
    %dma_wait3A_233 = tpu.memref_slice %arg6[%dma_wait3A_230, %dma_wait3A_231, %dma_wait3A_232] : memref<8x50x128xf32, #tpu.memory_space<vmem>> -> memref<1x50x128xf32, #tpu.memory_space<vmem>>
    %dma_wait3A_234 = tpu.memref_squeeze %dma_wait3A_233 : memref<1x50x128xf32, #tpu.memory_space<vmem>> -> memref<50x128xf32, #tpu.memory_space<vmem>>
    %dma_wait3A_235 = arith.constant 0 : i32
    %dma_wait3A_236 = tpu.memref_slice %arg5[%dma_wait3A_229, %dma_wait3A_235] : memref<32x50xi32, #tpu.memory_space<vmem>> -> memref<1x50xi32, #tpu.memory_space<vmem>>
    %dma_wait3A_237 = tpu.memref_squeeze %dma_wait3A_236 : memref<1x50xi32, #tpu.memory_space<vmem>> -> memref<50xi32, #tpu.memory_space<vmem>>
    %dma_wait3A_238 = arith.constant 0 : i32
    %dma_wait3A_239 = arith.constant 0 : i32
    %dma_wait3A_240 = tpu.memref_slice %arg2[%dma_wait3A_238, %dma_wait3A_239] : memref<128x128xf32, #tpu.memory_space<hbm>> -> memref<128x128xf32, #tpu.memory_space<hbm>>
    tpu.wait_indirect_dma semaphore(%arg8 : memref<!tpu.dma_semaphore, #tpu.memory_space<semaphore_mem>>) src(%dma_wait3A_240 : memref<128x128xf32, #tpu.memory_space<hbm>>) dst(%dma_wait3A_234 : memref<50x128xf32, #tpu.memory_space<vmem>>)
    %dma_wait3A_241 = arith.constant 4 : i32
    %dma_wait3A_242 = arith.constant 4 : i32
    %dma_wait3A_243 = arith.constant 0 : i32
    %dma_wait3A_244 = arith.constant 0 : i32
    %dma_wait3A_245 = tpu.memref_slice %arg6[%dma_wait3A_242, %dma_wait3A_243, %dma_wait3A_244] : memref<8x50x128xf32, #tpu.memory_space<vmem>> -> memref<1x50x128xf32, #tpu.memory_space<vmem>>
    %dma_wait3A_246 = tpu.memref_squeeze %dma_wait3A_245 : memref<1x50x128xf32, #tpu.memory_space<vmem>> -> memref<50x128xf32, #tpu.memory_space<vmem>>
    %dma_wait3A_247 = arith.constant 0 : i32
    %dma_wait3A_248 = tpu.memref_slice %arg5[%dma_wait3A_241, %dma_wait3A_247] : memref<32x50xi32, #tpu.memory_space<vmem>> -> memref<1x50xi32, #tpu.memory_space<vmem>>
    %dma_wait3A_249 = tpu.memref_squeeze %dma_wait3A_248 : memref<1x50xi32, #tpu.memory_space<vmem>> -> memref<50xi32, #tpu.memory_space<vmem>>
    %dma_wait3A_250 = arith.constant 0 : i32
    %dma_wait3A_251 = arith.constant 0 : i32
    %dma_wait3A_252 = tpu.memref_slice %arg2[%dma_wait3A_250, %dma_wait3A_251] : memref<128x128xf32, #tpu.memory_space<hbm>> -> memref<128x128xf32, #tpu.memory_space<hbm>>
    tpu.wait_indirect_dma semaphore(%arg8 : memref<!tpu.dma_semaphore, #tpu.memory_space<semaphore_mem>>) src(%dma_wait3A_252 : memref<128x128xf32, #tpu.memory_space<hbm>>) dst(%dma_wait3A_246 : memref<50x128xf32, #tpu.memory_space<vmem>>)
    %dma_wait3A_253 = arith.constant 5 : i32
    %dma_wait3A_254 = arith.constant 5 : i32
    %dma_wait3A_255 = arith.constant 0 : i32
    %dma_wait3A_256 = arith.constant 0 : i32
    %dma_wait3A_257 = tpu.memref_slice %arg6[%dma_wait3A_254, %dma_wait3A_255, %dma_wait3A_256] : memref<8x50x128xf32, #tpu.memory_space<vmem>> -> memref<1x50x128xf32, #tpu.memory_space<vmem>>
    %dma_wait3A_258 = tpu.memref_squeeze %dma_wait3A_257 : memref<1x50x128xf32, #tpu.memory_space<vmem>> -> memref<50x128xf32, #tpu.memory_space<vmem>>
    %dma_wait3A_259 = arith.constant 0 : i32
    %dma_wait3A_260 = tpu.memref_slice %arg5[%dma_wait3A_253, %dma_wait3A_259] : memref<32x50xi32, #tpu.memory_space<vmem>> -> memref<1x50xi32, #tpu.memory_space<vmem>>
    %dma_wait3A_261 = tpu.memref_squeeze %dma_wait3A_260 : memref<1x50xi32, #tpu.memory_space<vmem>> -> memref<50xi32, #tpu.memory_space<vmem>>
    %dma_wait3A_262 = arith.constant 0 : i32
    %dma_wait3A_263 = arith.constant 0 : i32
    %dma_wait3A_264 = tpu.memref_slice %arg2[%dma_wait3A_262, %dma_wait3A_263] : memref<128x128xf32, #tpu.memory_space<hbm>> -> memref<128x128xf32, #tpu.memory_space<hbm>>
    tpu.wait_indirect_dma semaphore(%arg8 : memref<!tpu.dma_semaphore, #tpu.memory_space<semaphore_mem>>) src(%dma_wait3A_264 : memref<128x128xf32, #tpu.memory_space<hbm>>) dst(%dma_wait3A_258 : memref<50x128xf32, #tpu.memory_space<vmem>>)
    %dma_wait3A_265 = arith.constant 6 : i32
    %dma_wait3A_266 = arith.constant 6 : i32
    %dma_wait3A_267 = arith.constant 0 : i32
    %dma_wait3A_268 = arith.constant 0 : i32
    %dma_wait3A_269 = tpu.memref_slice %arg6[%dma_wait3A_266, %dma_wait3A_267, %dma_wait3A_268] : memref<8x50x128xf32, #tpu.memory_space<vmem>> -> memref<1x50x128xf32, #tpu.memory_space<vmem>>
    %dma_wait3A_270 = tpu.memref_squeeze %dma_wait3A_269 : memref<1x50x128xf32, #tpu.memory_space<vmem>> -> memref<50x128xf32, #tpu.memory_space<vmem>>
    %dma_wait3A_271 = arith.constant 0 : i32
    %dma_wait3A_272 = tpu.memref_slice %arg5[%dma_wait3A_265, %dma_wait3A_271] : memref<32x50xi32, #tpu.memory_space<vmem>> -> memref<1x50xi32, #tpu.memory_space<vmem>>
    %dma_wait3A_273 = tpu.memref_squeeze %dma_wait3A_272 : memref<1x50xi32, #tpu.memory_space<vmem>> -> memref<50xi32, #tpu.memory_space<vmem>>
    %dma_wait3A_274 = arith.constant 0 : i32
    %dma_wait3A_275 = arith.constant 0 : i32
    %dma_wait3A_276 = tpu.memref_slice %arg2[%dma_wait3A_274, %dma_wait3A_275] : memref<128x128xf32, #tpu.memory_space<hbm>> -> memref<128x128xf32, #tpu.memory_space<hbm>>
    tpu.wait_indirect_dma semaphore(%arg8 : memref<!tpu.dma_semaphore, #tpu.memory_space<semaphore_mem>>) src(%dma_wait3A_276 : memref<128x128xf32, #tpu.memory_space<hbm>>) dst(%dma_wait3A_270 : memref<50x128xf32, #tpu.memory_space<vmem>>)
    %dma_wait3A_277 = arith.constant 7 : i32
    %dma_wait3A_278 = arith.constant 7 : i32
    %dma_wait3A_279 = arith.constant 0 : i32
    %dma_wait3A_280 = arith.constant 0 : i32
    %dma_wait3A_281 = tpu.memref_slice %arg6[%dma_wait3A_278, %dma_wait3A_279, %dma_wait3A_280] : memref<8x50x128xf32, #tpu.memory_space<vmem>> -> memref<1x50x128xf32, #tpu.memory_space<vmem>>
    %dma_wait3A_282 = tpu.memref_squeeze %dma_wait3A_281 : memref<1x50x128xf32, #tpu.memory_space<vmem>> -> memref<50x128xf32, #tpu.memory_space<vmem>>
    %dma_wait3A_283 = arith.constant 0 : i32
    %dma_wait3A_284 = tpu.memref_slice %arg5[%dma_wait3A_277, %dma_wait3A_283] : memref<32x50xi32, #tpu.memory_space<vmem>> -> memref<1x50xi32, #tpu.memory_space<vmem>>
    %dma_wait3A_285 = tpu.memref_squeeze %dma_wait3A_284 : memref<1x50xi32, #tpu.memory_space<vmem>> -> memref<50xi32, #tpu.memory_space<vmem>>
    %dma_wait3A_286 = arith.constant 0 : i32
    %dma_wait3A_287 = arith.constant 0 : i32
    %dma_wait3A_288 = tpu.memref_slice %arg2[%dma_wait3A_286, %dma_wait3A_287] : memref<128x128xf32, #tpu.memory_space<hbm>> -> memref<128x128xf32, #tpu.memory_space<hbm>>
    tpu.wait_indirect_dma semaphore(%arg8 : memref<!tpu.dma_semaphore, #tpu.memory_space<semaphore_mem>>) src(%dma_wait3A_288 : memref<128x128xf32, #tpu.memory_space<hbm>>) dst(%dma_wait3A_282 : memref<50x128xf32, #tpu.memory_space<vmem>>)
    %add3A_289 = arith.constant 0 : i32
    %add3A_290 = arith.addi %mul3A_2, %add3A_289 : i32
    %dma_start3A_291 = arith.constant 0 : i32
    %dma_start3A_292 = arith.constant 0 : i32
    %dma_start3A_293 = tpu.memref_slice %arg4[%add3A_290, %dma_start3A_291, %dma_start3A_292] : memref<1024x50x128xf32, #tpu.memory_space<hbm>> -> memref<8x50x128xf32, #tpu.memory_space<hbm>>
    %dma_start3A_294 = arith.constant 0 : i32
    %dma_start3A_295 = arith.constant 0 : i32
    %dma_start3A_296 = tpu.memref_slice %arg4[%add3A_290, %dma_start3A_294, %dma_start3A_295] : memref<1024x50x128xf32, #tpu.memory_space<hbm>> -> memref<8x50x128xf32, #tpu.memory_space<hbm>>
    tpu.enqueue_dma source(%arg6 : memref<8x50x128xf32, #tpu.memory_space<vmem>>) target(%dma_start3A_296 : memref<8x50x128xf32, #tpu.memory_space<hbm>>) target_semaphore(%arg10 : memref<!tpu.dma_semaphore, #tpu.memory_space<semaphore_mem>>)
    %add3A_297 = arith.constant 0 : i32
    %add3A_298 = arith.addi %mul3A_2, %add3A_297 : i32
    %dma_wait3A_299 = arith.constant 0 : i32
    %dma_wait3A_300 = arith.constant 0 : i32
    %dma_wait3A_301 = tpu.memref_slice %arg4[%add3A_298, %dma_wait3A_299, %dma_wait3A_300] : memref<1024x50x128xf32, #tpu.memory_space<hbm>> -> memref<8x50x128xf32, #tpu.memory_space<hbm>>
    %dma_wait3A_302 = arith.constant 0 : i32
    %dma_wait3A_303 = arith.constant 0 : i32
    %dma_wait3A_304 = tpu.memref_slice %arg4[%add3A_298, %dma_wait3A_302, %dma_wait3A_303] : memref<1024x50x128xf32, #tpu.memory_space<hbm>> -> memref<8x50x128xf32, #tpu.memory_space<hbm>>
    tpu.wait_dma2 semaphore(%arg10 : memref<!tpu.dma_semaphore, #tpu.memory_space<semaphore_mem>>) src(%arg6 : memref<8x50x128xf32, #tpu.memory_space<vmem>>) dst(%dma_wait3A_304 : memref<8x50x128xf32, #tpu.memory_space<hbm>>)
    %dma_start3A_305 = arith.constant 16 : i32
    %dma_start3A_306 = arith.constant 0 : i32
    %dma_start3A_307 = arith.constant 0 : i32
    %dma_start3A_308 = arith.constant 0 : i32
    %dma_start3A_309 = tpu.memref_slice %arg6[%dma_start3A_306, %dma_start3A_307, %dma_start3A_308] : memref<8x50x128xf32, #tpu.memory_space<vmem>> -> memref<1x50x128xf32, #tpu.memory_space<vmem>>
    %dma_start3A_310 = tpu.memref_squeeze %dma_start3A_309 : memref<1x50x128xf32, #tpu.memory_space<vmem>> -> memref<50x128xf32, #tpu.memory_space<vmem>>
    %dma_start3A_311 = arith.constant 0 : i32
    %dma_start3A_312 = tpu.memref_slice %arg5[%dma_start3A_305, %dma_start3A_311] : memref<32x50xi32, #tpu.memory_space<vmem>> -> memref<1x50xi32, #tpu.memory_space<vmem>>
    %dma_start3A_313 = tpu.memref_squeeze %dma_start3A_312 : memref<1x50xi32, #tpu.memory_space<vmem>> -> memref<50xi32, #tpu.memory_space<vmem>>
    %dma_start3A_314 = arith.constant 0 : i32
    %dma_start3A_315 = arith.constant 0 : i32
    %dma_start3A_316 = tpu.memref_slice %arg2[%dma_start3A_314, %dma_start3A_315] : memref<128x128xf32, #tpu.memory_space<hbm>> -> memref<128x128xf32, #tpu.memory_space<hbm>>
    tpu.enqueue_indirect_dma source(%dma_start3A_316 : memref<128x128xf32, #tpu.memory_space<hbm>>) target(%dma_start3A_310 : memref<50x128xf32, #tpu.memory_space<vmem>>) offsets(%dma_start3A_313 : memref<50xi32, #tpu.memory_space<vmem>>) semaphore(%arg8 : memref<!tpu.dma_semaphore, #tpu.memory_space<semaphore_mem>>)
    %dma_start3A_317 = arith.constant 17 : i32
    %dma_start3A_318 = arith.constant 1 : i32
    %dma_start3A_319 = arith.constant 0 : i32
    %dma_start3A_320 = arith.constant 0 : i32
    %dma_start3A_321 = tpu.memref_slice %arg6[%dma_start3A_318, %dma_start3A_319, %dma_start3A_320] : memref<8x50x128xf32, #tpu.memory_space<vmem>> -> memref<1x50x128xf32, #tpu.memory_space<vmem>>
    %dma_start3A_322 = tpu.memref_squeeze %dma_start3A_321 : memref<1x50x128xf32, #tpu.memory_space<vmem>> -> memref<50x128xf32, #tpu.memory_space<vmem>>
    %dma_start3A_323 = arith.constant 0 : i32
    %dma_start3A_324 = tpu.memref_slice %arg5[%dma_start3A_317, %dma_start3A_323] : memref<32x50xi32, #tpu.memory_space<vmem>> -> memref<1x50xi32, #tpu.memory_space<vmem>>
    %dma_start3A_325 = tpu.memref_squeeze %dma_start3A_324 : memref<1x50xi32, #tpu.memory_space<vmem>> -> memref<50xi32, #tpu.memory_space<vmem>>
    %dma_start3A_326 = arith.constant 0 : i32
    %dma_start3A_327 = arith.constant 0 : i32
    %dma_start3A_328 = tpu.memref_slice %arg2[%dma_start3A_326, %dma_start3A_327] : memref<128x128xf32, #tpu.memory_space<hbm>> -> memref<128x128xf32, #tpu.memory_space<hbm>>
    tpu.enqueue_indirect_dma source(%dma_start3A_328 : memref<128x128xf32, #tpu.memory_space<hbm>>) target(%dma_start3A_322 : memref<50x128xf32, #tpu.memory_space<vmem>>) offsets(%dma_start3A_325 : memref<50xi32, #tpu.memory_space<vmem>>) semaphore(%arg8 : memref<!tpu.dma_semaphore, #tpu.memory_space<semaphore_mem>>)
    %dma_start3A_329 = arith.constant 18 : i32
    %dma_start3A_330 = arith.constant 2 : i32
    %dma_start3A_331 = arith.constant 0 : i32
    %dma_start3A_332 = arith.constant 0 : i32
    %dma_start3A_333 = tpu.memref_slice %arg6[%dma_start3A_330, %dma_start3A_331, %dma_start3A_332] : memref<8x50x128xf32, #tpu.memory_space<vmem>> -> memref<1x50x128xf32, #tpu.memory_space<vmem>>
    %dma_start3A_334 = tpu.memref_squeeze %dma_start3A_333 : memref<1x50x128xf32, #tpu.memory_space<vmem>> -> memref<50x128xf32, #tpu.memory_space<vmem>>
    %dma_start3A_335 = arith.constant 0 : i32
    %dma_start3A_336 = tpu.memref_slice %arg5[%dma_start3A_329, %dma_start3A_335] : memref<32x50xi32, #tpu.memory_space<vmem>> -> memref<1x50xi32, #tpu.memory_space<vmem>>
    %dma_start3A_337 = tpu.memref_squeeze %dma_start3A_336 : memref<1x50xi32, #tpu.memory_space<vmem>> -> memref<50xi32, #tpu.memory_space<vmem>>
    %dma_start3A_338 = arith.constant 0 : i32
    %dma_start3A_339 = arith.constant 0 : i32
    %dma_start3A_340 = tpu.memref_slice %arg2[%dma_start3A_338, %dma_start3A_339] : memref<128x128xf32, #tpu.memory_space<hbm>> -> memref<128x128xf32, #tpu.memory_space<hbm>>
    tpu.enqueue_indirect_dma source(%dma_start3A_340 : memref<128x128xf32, #tpu.memory_space<hbm>>) target(%dma_start3A_334 : memref<50x128xf32, #tpu.memory_space<vmem>>) offsets(%dma_start3A_337 : memref<50xi32, #tpu.memory_space<vmem>>) semaphore(%arg8 : memref<!tpu.dma_semaphore, #tpu.memory_space<semaphore_mem>>)
    %dma_start3A_341 = arith.constant 19 : i32
    %dma_start3A_342 = arith.constant 3 : i32
    %dma_start3A_343 = arith.constant 0 : i32
    %dma_start3A_344 = arith.constant 0 : i32
    %dma_start3A_345 = tpu.memref_slice %arg6[%dma_start3A_342, %dma_start3A_343, %dma_start3A_344] : memref<8x50x128xf32, #tpu.memory_space<vmem>> -> memref<1x50x128xf32, #tpu.memory_space<vmem>>
    %dma_start3A_346 = tpu.memref_squeeze %dma_start3A_345 : memref<1x50x128xf32, #tpu.memory_space<vmem>> -> memref<50x128xf32, #tpu.memory_space<vmem>>
    %dma_start3A_347 = arith.constant 0 : i32
    %dma_start3A_348 = tpu.memref_slice %arg5[%dma_start3A_341, %dma_start3A_347] : memref<32x50xi32, #tpu.memory_space<vmem>> -> memref<1x50xi32, #tpu.memory_space<vmem>>
    %dma_start3A_349 = tpu.memref_squeeze %dma_start3A_348 : memref<1x50xi32, #tpu.memory_space<vmem>> -> memref<50xi32, #tpu.memory_space<vmem>>
    %dma_start3A_350 = arith.constant 0 : i32
    %dma_start3A_351 = arith.constant 0 : i32
    %dma_start3A_352 = tpu.memref_slice %arg2[%dma_start3A_350, %dma_start3A_351] : memref<128x128xf32, #tpu.memory_space<hbm>> -> memref<128x128xf32, #tpu.memory_space<hbm>>
    tpu.enqueue_indirect_dma source(%dma_start3A_352 : memref<128x128xf32, #tpu.memory_space<hbm>>) target(%dma_start3A_346 : memref<50x128xf32, #tpu.memory_space<vmem>>) offsets(%dma_start3A_349 : memref<50xi32, #tpu.memory_space<vmem>>) semaphore(%arg8 : memref<!tpu.dma_semaphore, #tpu.memory_space<semaphore_mem>>)
    %dma_start3A_353 = arith.constant 20 : i32
    %dma_start3A_354 = arith.constant 4 : i32
    %dma_start3A_355 = arith.constant 0 : i32
    %dma_start3A_356 = arith.constant 0 : i32
    %dma_start3A_357 = tpu.memref_slice %arg6[%dma_start3A_354, %dma_start3A_355, %dma_start3A_356] : memref<8x50x128xf32, #tpu.memory_space<vmem>> -> memref<1x50x128xf32, #tpu.memory_space<vmem>>
    %dma_start3A_358 = tpu.memref_squeeze %dma_start3A_357 : memref<1x50x128xf32, #tpu.memory_space<vmem>> -> memref<50x128xf32, #tpu.memory_space<vmem>>
    %dma_start3A_359 = arith.constant 0 : i32
    %dma_start3A_360 = tpu.memref_slice %arg5[%dma_start3A_353, %dma_start3A_359] : memref<32x50xi32, #tpu.memory_space<vmem>> -> memref<1x50xi32, #tpu.memory_space<vmem>>
    %dma_start3A_361 = tpu.memref_squeeze %dma_start3A_360 : memref<1x50xi32, #tpu.memory_space<vmem>> -> memref<50xi32, #tpu.memory_space<vmem>>
    %dma_start3A_362 = arith.constant 0 : i32
    %dma_start3A_363 = arith.constant 0 : i32
    %dma_start3A_364 = tpu.memref_slice %arg2[%dma_start3A_362, %dma_start3A_363] : memref<128x128xf32, #tpu.memory_space<hbm>> -> memref<128x128xf32, #tpu.memory_space<hbm>>
    tpu.enqueue_indirect_dma source(%dma_start3A_364 : memref<128x128xf32, #tpu.memory_space<hbm>>) target(%dma_start3A_358 : memref<50x128xf32, #tpu.memory_space<vmem>>) offsets(%dma_start3A_361 : memref<50xi32, #tpu.memory_space<vmem>>) semaphore(%arg8 : memref<!tpu.dma_semaphore, #tpu.memory_space<semaphore_mem>>)
    %dma_start3A_365 = arith.constant 21 : i32
    %dma_start3A_366 = arith.constant 5 : i32
    %dma_start3A_367 = arith.constant 0 : i32
    %dma_start3A_368 = arith.constant 0 : i32
    %dma_start3A_369 = tpu.memref_slice %arg6[%dma_start3A_366, %dma_start3A_367, %dma_start3A_368] : memref<8x50x128xf32, #tpu.memory_space<vmem>> -> memref<1x50x128xf32, #tpu.memory_space<vmem>>
    %dma_start3A_370 = tpu.memref_squeeze %dma_start3A_369 : memref<1x50x128xf32, #tpu.memory_space<vmem>> -> memref<50x128xf32, #tpu.memory_space<vmem>>
    %dma_start3A_371 = arith.constant 0 : i32
    %dma_start3A_372 = tpu.memref_slice %arg5[%dma_start3A_365, %dma_start3A_371] : memref<32x50xi32, #tpu.memory_space<vmem>> -> memref<1x50xi32, #tpu.memory_space<vmem>>
    %dma_start3A_373 = tpu.memref_squeeze %dma_start3A_372 : memref<1x50xi32, #tpu.memory_space<vmem>> -> memref<50xi32, #tpu.memory_space<vmem>>
    %dma_start3A_374 = arith.constant 0 : i32
    %dma_start3A_375 = arith.constant 0 : i32
    %dma_start3A_376 = tpu.memref_slice %arg2[%dma_start3A_374, %dma_start3A_375] : memref<128x128xf32, #tpu.memory_space<hbm>> -> memref<128x128xf32, #tpu.memory_space<hbm>>
    tpu.enqueue_indirect_dma source(%dma_start3A_376 : memref<128x128xf32, #tpu.memory_space<hbm>>) target(%dma_start3A_370 : memref<50x128xf32, #tpu.memory_space<vmem>>) offsets(%dma_start3A_373 : memref<50xi32, #tpu.memory_space<vmem>>) semaphore(%arg8 : memref<!tpu.dma_semaphore, #tpu.memory_space<semaphore_mem>>)
    %dma_start3A_377 = arith.constant 22 : i32
    %dma_start3A_378 = arith.constant 6 : i32
    %dma_start3A_379 = arith.constant 0 : i32
    %dma_start3A_380 = arith.constant 0 : i32
    %dma_start3A_381 = tpu.memref_slice %arg6[%dma_start3A_378, %dma_start3A_379, %dma_start3A_380] : memref<8x50x128xf32, #tpu.memory_space<vmem>> -> memref<1x50x128xf32, #tpu.memory_space<vmem>>
    %dma_start3A_382 = tpu.memref_squeeze %dma_start3A_381 : memref<1x50x128xf32, #tpu.memory_space<vmem>> -> memref<50x128xf32, #tpu.memory_space<vmem>>
    %dma_start3A_383 = arith.constant 0 : i32
    %dma_start3A_384 = tpu.memref_slice %arg5[%dma_start3A_377, %dma_start3A_383] : memref<32x50xi32, #tpu.memory_space<vmem>> -> memref<1x50xi32, #tpu.memory_space<vmem>>
    %dma_start3A_385 = tpu.memref_squeeze %dma_start3A_384 : memref<1x50xi32, #tpu.memory_space<vmem>> -> memref<50xi32, #tpu.memory_space<vmem>>
    %dma_start3A_386 = arith.constant 0 : i32
    %dma_start3A_387 = arith.constant 0 : i32
    %dma_start3A_388 = tpu.memref_slice %arg2[%dma_start3A_386, %dma_start3A_387] : memref<128x128xf32, #tpu.memory_space<hbm>> -> memref<128x128xf32, #tpu.memory_space<hbm>>
    tpu.enqueue_indirect_dma source(%dma_start3A_388 : memref<128x128xf32, #tpu.memory_space<hbm>>) target(%dma_start3A_382 : memref<50x128xf32, #tpu.memory_space<vmem>>) offsets(%dma_start3A_385 : memref<50xi32, #tpu.memory_space<vmem>>) semaphore(%arg8 : memref<!tpu.dma_semaphore, #tpu.memory_space<semaphore_mem>>)
    %dma_start3A_389 = arith.constant 23 : i32
    %dma_start3A_390 = arith.constant 7 : i32
    %dma_start3A_391 = arith.constant 0 : i32
    %dma_start3A_392 = arith.constant 0 : i32
    %dma_start3A_393 = tpu.memref_slice %arg6[%dma_start3A_390, %dma_start3A_391, %dma_start3A_392] : memref<8x50x128xf32, #tpu.memory_space<vmem>> -> memref<1x50x128xf32, #tpu.memory_space<vmem>>
    %dma_start3A_394 = tpu.memref_squeeze %dma_start3A_393 : memref<1x50x128xf32, #tpu.memory_space<vmem>> -> memref<50x128xf32, #tpu.memory_space<vmem>>
    %dma_start3A_395 = arith.constant 0 : i32
    %dma_start3A_396 = tpu.memref_slice %arg5[%dma_start3A_389, %dma_start3A_395] : memref<32x50xi32, #tpu.memory_space<vmem>> -> memref<1x50xi32, #tpu.memory_space<vmem>>
    %dma_start3A_397 = tpu.memref_squeeze %dma_start3A_396 : memref<1x50xi32, #tpu.memory_space<vmem>> -> memref<50xi32, #tpu.memory_space<vmem>>
    %dma_start3A_398 = arith.constant 0 : i32
    %dma_start3A_399 = arith.constant 0 : i32
    %dma_start3A_400 = tpu.memref_slice %arg2[%dma_start3A_398, %dma_start3A_399] : memref<128x128xf32, #tpu.memory_space<hbm>> -> memref<128x128xf32, #tpu.memory_space<hbm>>
    tpu.enqueue_indirect_dma source(%dma_start3A_400 : memref<128x128xf32, #tpu.memory_space<hbm>>) target(%dma_start3A_394 : memref<50x128xf32, #tpu.memory_space<vmem>>) offsets(%dma_start3A_397 : memref<50xi32, #tpu.memory_space<vmem>>) semaphore(%arg8 : memref<!tpu.dma_semaphore, #tpu.memory_space<semaphore_mem>>)
    %dma_wait3A_401 = arith.constant 8 : i32
    %dma_wait3A_402 = arith.constant 0 : i32
    %dma_wait3A_403 = arith.constant 0 : i32
    %dma_wait3A_404 = arith.constant 0 : i32
    %dma_wait3A_405 = tpu.memref_slice %arg7[%dma_wait3A_402, %dma_wait3A_403, %dma_wait3A_404] : memref<8x50x128xf32, #tpu.memory_space<vmem>> -> memref<1x50x128xf32, #tpu.memory_space<vmem>>
    %dma_wait3A_406 = tpu.memref_squeeze %dma_wait3A_405 : memref<1x50x128xf32, #tpu.memory_space<vmem>> -> memref<50x128xf32, #tpu.memory_space<vmem>>
    %dma_wait3A_407 = arith.constant 0 : i32
    %dma_wait3A_408 = tpu.memref_slice %arg5[%dma_wait3A_401, %dma_wait3A_407] : memref<32x50xi32, #tpu.memory_space<vmem>> -> memref<1x50xi32, #tpu.memory_space<vmem>>
    %dma_wait3A_409 = tpu.memref_squeeze %dma_wait3A_408 : memref<1x50xi32, #tpu.memory_space<vmem>> -> memref<50xi32, #tpu.memory_space<vmem>>
    %dma_wait3A_410 = arith.constant 0 : i32
    %dma_wait3A_411 = arith.constant 0 : i32
    %dma_wait3A_412 = tpu.memref_slice %arg2[%dma_wait3A_410, %dma_wait3A_411] : memref<128x128xf32, #tpu.memory_space<hbm>> -> memref<128x128xf32, #tpu.memory_space<hbm>>
    tpu.wait_indirect_dma semaphore(%arg9 : memref<!tpu.dma_semaphore, #tpu.memory_space<semaphore_mem>>) src(%dma_wait3A_412 : memref<128x128xf32, #tpu.memory_space<hbm>>) dst(%dma_wait3A_406 : memref<50x128xf32, #tpu.memory_space<vmem>>)
    %dma_wait3A_413 = arith.constant 9 : i32
    %dma_wait3A_414 = arith.constant 1 : i32
    %dma_wait3A_415 = arith.constant 0 : i32
    %dma_wait3A_416 = arith.constant 0 : i32
    %dma_wait3A_417 = tpu.memref_slice %arg7[%dma_wait3A_414, %dma_wait3A_415, %dma_wait3A_416] : memref<8x50x128xf32, #tpu.memory_space<vmem>> -> memref<1x50x128xf32, #tpu.memory_space<vmem>>
    %dma_wait3A_418 = tpu.memref_squeeze %dma_wait3A_417 : memref<1x50x128xf32, #tpu.memory_space<vmem>> -> memref<50x128xf32, #tpu.memory_space<vmem>>
    %dma_wait3A_419 = arith.constant 0 : i32
    %dma_wait3A_420 = tpu.memref_slice %arg5[%dma_wait3A_413, %dma_wait3A_419] : memref<32x50xi32, #tpu.memory_space<vmem>> -> memref<1x50xi32, #tpu.memory_space<vmem>>
    %dma_wait3A_421 = tpu.memref_squeeze %dma_wait3A_420 : memref<1x50xi32, #tpu.memory_space<vmem>> -> memref<50xi32, #tpu.memory_space<vmem>>
    %dma_wait3A_422 = arith.constant 0 : i32
    %dma_wait3A_423 = arith.constant 0 : i32
    %dma_wait3A_424 = tpu.memref_slice %arg2[%dma_wait3A_422, %dma_wait3A_423] : memref<128x128xf32, #tpu.memory_space<hbm>> -> memref<128x128xf32, #tpu.memory_space<hbm>>
    tpu.wait_indirect_dma semaphore(%arg9 : memref<!tpu.dma_semaphore, #tpu.memory_space<semaphore_mem>>) src(%dma_wait3A_424 : memref<128x128xf32, #tpu.memory_space<hbm>>) dst(%dma_wait3A_418 : memref<50x128xf32, #tpu.memory_space<vmem>>)
    %dma_wait3A_425 = arith.constant 10 : i32
    %dma_wait3A_426 = arith.constant 2 : i32
    %dma_wait3A_427 = arith.constant 0 : i32
    %dma_wait3A_428 = arith.constant 0 : i32
    %dma_wait3A_429 = tpu.memref_slice %arg7[%dma_wait3A_426, %dma_wait3A_427, %dma_wait3A_428] : memref<8x50x128xf32, #tpu.memory_space<vmem>> -> memref<1x50x128xf32, #tpu.memory_space<vmem>>
    %dma_wait3A_430 = tpu.memref_squeeze %dma_wait3A_429 : memref<1x50x128xf32, #tpu.memory_space<vmem>> -> memref<50x128xf32, #tpu.memory_space<vmem>>
    %dma_wait3A_431 = arith.constant 0 : i32
    %dma_wait3A_432 = tpu.memref_slice %arg5[%dma_wait3A_425, %dma_wait3A_431] : memref<32x50xi32, #tpu.memory_space<vmem>> -> memref<1x50xi32, #tpu.memory_space<vmem>>
    %dma_wait3A_433 = tpu.memref_squeeze %dma_wait3A_432 : memref<1x50xi32, #tpu.memory_space<vmem>> -> memref<50xi32, #tpu.memory_space<vmem>>
    %dma_wait3A_434 = arith.constant 0 : i32
    %dma_wait3A_435 = arith.constant 0 : i32
    %dma_wait3A_436 = tpu.memref_slice %arg2[%dma_wait3A_434, %dma_wait3A_435] : memref<128x128xf32, #tpu.memory_space<hbm>> -> memref<128x128xf32, #tpu.memory_space<hbm>>
    tpu.wait_indirect_dma semaphore(%arg9 : memref<!tpu.dma_semaphore, #tpu.memory_space<semaphore_mem>>) src(%dma_wait3A_436 : memref<128x128xf32, #tpu.memory_space<hbm>>) dst(%dma_wait3A_430 : memref<50x128xf32, #tpu.memory_space<vmem>>)
    %dma_wait3A_437 = arith.constant 11 : i32
    %dma_wait3A_438 = arith.constant 3 : i32
    %dma_wait3A_439 = arith.constant 0 : i32
    %dma_wait3A_440 = arith.constant 0 : i32
    %dma_wait3A_441 = tpu.memref_slice %arg7[%dma_wait3A_438, %dma_wait3A_439, %dma_wait3A_440] : memref<8x50x128xf32, #tpu.memory_space<vmem>> -> memref<1x50x128xf32, #tpu.memory_space<vmem>>
    %dma_wait3A_442 = tpu.memref_squeeze %dma_wait3A_441 : memref<1x50x128xf32, #tpu.memory_space<vmem>> -> memref<50x128xf32, #tpu.memory_space<vmem>>
    %dma_wait3A_443 = arith.constant 0 : i32
    %dma_wait3A_444 = tpu.memref_slice %arg5[%dma_wait3A_437, %dma_wait3A_443] : memref<32x50xi32, #tpu.memory_space<vmem>> -> memref<1x50xi32, #tpu.memory_space<vmem>>
    %dma_wait3A_445 = tpu.memref_squeeze %dma_wait3A_444 : memref<1x50xi32, #tpu.memory_space<vmem>> -> memref<50xi32, #tpu.memory_space<vmem>>
    %dma_wait3A_446 = arith.constant 0 : i32
    %dma_wait3A_447 = arith.constant 0 : i32
    %dma_wait3A_448 = tpu.memref_slice %arg2[%dma_wait3A_446, %dma_wait3A_447] : memref<128x128xf32, #tpu.memory_space<hbm>> -> memref<128x128xf32, #tpu.memory_space<hbm>>
    tpu.wait_indirect_dma semaphore(%arg9 : memref<!tpu.dma_semaphore, #tpu.memory_space<semaphore_mem>>) src(%dma_wait3A_448 : memref<128x128xf32, #tpu.memory_space<hbm>>) dst(%dma_wait3A_442 : memref<50x128xf32, #tpu.memory_space<vmem>>)
    %dma_wait3A_449 = arith.constant 12 : i32
    %dma_wait3A_450 = arith.constant 4 : i32
    %dma_wait3A_451 = arith.constant 0 : i32
    %dma_wait3A_452 = arith.constant 0 : i32
    %dma_wait3A_453 = tpu.memref_slice %arg7[%dma_wait3A_450, %dma_wait3A_451, %dma_wait3A_452] : memref<8x50x128xf32, #tpu.memory_space<vmem>> -> memref<1x50x128xf32, #tpu.memory_space<vmem>>
    %dma_wait3A_454 = tpu.memref_squeeze %dma_wait3A_453 : memref<1x50x128xf32, #tpu.memory_space<vmem>> -> memref<50x128xf32, #tpu.memory_space<vmem>>
    %dma_wait3A_455 = arith.constant 0 : i32
    %dma_wait3A_456 = tpu.memref_slice %arg5[%dma_wait3A_449, %dma_wait3A_455] : memref<32x50xi32, #tpu.memory_space<vmem>> -> memref<1x50xi32, #tpu.memory_space<vmem>>
    %dma_wait3A_457 = tpu.memref_squeeze %dma_wait3A_456 : memref<1x50xi32, #tpu.memory_space<vmem>> -> memref<50xi32, #tpu.memory_space<vmem>>
    %dma_wait3A_458 = arith.constant 0 : i32
    %dma_wait3A_459 = arith.constant 0 : i32
    %dma_wait3A_460 = tpu.memref_slice %arg2[%dma_wait3A_458, %dma_wait3A_459] : memref<128x128xf32, #tpu.memory_space<hbm>> -> memref<128x128xf32, #tpu.memory_space<hbm>>
    tpu.wait_indirect_dma semaphore(%arg9 : memref<!tpu.dma_semaphore, #tpu.memory_space<semaphore_mem>>) src(%dma_wait3A_460 : memref<128x128xf32, #tpu.memory_space<hbm>>) dst(%dma_wait3A_454 : memref<50x128xf32, #tpu.memory_space<vmem>>)
    %dma_wait3A_461 = arith.constant 13 : i32
    %dma_wait3A_462 = arith.constant 5 : i32
    %dma_wait3A_463 = arith.constant 0 : i32
    %dma_wait3A_464 = arith.constant 0 : i32
    %dma_wait3A_465 = tpu.memref_slice %arg7[%dma_wait3A_462, %dma_wait3A_463, %dma_wait3A_464] : memref<8x50x128xf32, #tpu.memory_space<vmem>> -> memref<1x50x128xf32, #tpu.memory_space<vmem>>
    %dma_wait3A_466 = tpu.memref_squeeze %dma_wait3A_465 : memref<1x50x128xf32, #tpu.memory_space<vmem>> -> memref<50x128xf32, #tpu.memory_space<vmem>>
    %dma_wait3A_467 = arith.constant 0 : i32
    %dma_wait3A_468 = tpu.memref_slice %arg5[%dma_wait3A_461, %dma_wait3A_467] : memref<32x50xi32, #tpu.memory_space<vmem>> -> memref<1x50xi32, #tpu.memory_space<vmem>>
    %dma_wait3A_469 = tpu.memref_squeeze %dma_wait3A_468 : memref<1x50xi32, #tpu.memory_space<vmem>> -> memref<50xi32, #tpu.memory_space<vmem>>
    %dma_wait3A_470 = arith.constant 0 : i32
    %dma_wait3A_471 = arith.constant 0 : i32
    %dma_wait3A_472 = tpu.memref_slice %arg2[%dma_wait3A_470, %dma_wait3A_471] : memref<128x128xf32, #tpu.memory_space<hbm>> -> memref<128x128xf32, #tpu.memory_space<hbm>>
    tpu.wait_indirect_dma semaphore(%arg9 : memref<!tpu.dma_semaphore, #tpu.memory_space<semaphore_mem>>) src(%dma_wait3A_472 : memref<128x128xf32, #tpu.memory_space<hbm>>) dst(%dma_wait3A_466 : memref<50x128xf32, #tpu.memory_space<vmem>>)
    %dma_wait3A_473 = arith.constant 14 : i32
    %dma_wait3A_474 = arith.constant 6 : i32
    %dma_wait3A_475 = arith.constant 0 : i32
    %dma_wait3A_476 = arith.constant 0 : i32
    %dma_wait3A_477 = tpu.memref_slice %arg7[%dma_wait3A_474, %dma_wait3A_475, %dma_wait3A_476] : memref<8x50x128xf32, #tpu.memory_space<vmem>> -> memref<1x50x128xf32, #tpu.memory_space<vmem>>
    %dma_wait3A_478 = tpu.memref_squeeze %dma_wait3A_477 : memref<1x50x128xf32, #tpu.memory_space<vmem>> -> memref<50x128xf32, #tpu.memory_space<vmem>>
    %dma_wait3A_479 = arith.constant 0 : i32
    %dma_wait3A_480 = tpu.memref_slice %arg5[%dma_wait3A_473, %dma_wait3A_479] : memref<32x50xi32, #tpu.memory_space<vmem>> -> memref<1x50xi32, #tpu.memory_space<vmem>>
    %dma_wait3A_481 = tpu.memref_squeeze %dma_wait3A_480 : memref<1x50xi32, #tpu.memory_space<vmem>> -> memref<50xi32, #tpu.memory_space<vmem>>
    %dma_wait3A_482 = arith.constant 0 : i32
    %dma_wait3A_483 = arith.constant 0 : i32
    %dma_wait3A_484 = tpu.memref_slice %arg2[%dma_wait3A_482, %dma_wait3A_483] : memref<128x128xf32, #tpu.memory_space<hbm>> -> memref<128x128xf32, #tpu.memory_space<hbm>>
    tpu.wait_indirect_dma semaphore(%arg9 : memref<!tpu.dma_semaphore, #tpu.memory_space<semaphore_mem>>) src(%dma_wait3A_484 : memref<128x128xf32, #tpu.memory_space<hbm>>) dst(%dma_wait3A_478 : memref<50x128xf32, #tpu.memory_space<vmem>>)
    %dma_wait3A_485 = arith.constant 15 : i32
    %dma_wait3A_486 = arith.constant 7 : i32
    %dma_wait3A_487 = arith.constant 0 : i32
    %dma_wait3A_488 = arith.constant 0 : i32
    %dma_wait3A_489 = tpu.memref_slice %arg7[%dma_wait3A_486, %dma_wait3A_487, %dma_wait3A_488] : memref<8x50x128xf32, #tpu.memory_space<vmem>> -> memref<1x50x128xf32, #tpu.memory_space<vmem>>
    %dma_wait3A_490 = tpu.memref_squeeze %dma_wait3A_489 : memref<1x50x128xf32, #tpu.memory_space<vmem>> -> memref<50x128xf32, #tpu.memory_space<vmem>>
    %dma_wait3A_491 = arith.constant 0 : i32
    %dma_wait3A_492 = tpu.memref_slice %arg5[%dma_wait3A_485, %dma_wait3A_491] : memref<32x50xi32, #tpu.memory_space<vmem>> -> memref<1x50xi32, #tpu.memory_space<vmem>>
    %dma_wait3A_493 = tpu.memref_squeeze %dma_wait3A_492 : memref<1x50xi32, #tpu.memory_space<vmem>> -> memref<50xi32, #tpu.memory_space<vmem>>
    %dma_wait3A_494 = arith.constant 0 : i32
    %dma_wait3A_495 = arith.constant 0 : i32
    %dma_wait3A_496 = tpu.memref_slice %arg2[%dma_wait3A_494, %dma_wait3A_495] : memref<128x128xf32, #tpu.memory_space<hbm>> -> memref<128x128xf32, #tpu.memory_space<hbm>>
    tpu.wait_indirect_dma semaphore(%arg9 : memref<!tpu.dma_semaphore, #tpu.memory_space<semaphore_mem>>) src(%dma_wait3A_496 : memref<128x128xf32, #tpu.memory_space<hbm>>) dst(%dma_wait3A_490 : memref<50x128xf32, #tpu.memory_space<vmem>>)
    %add3A_497 = arith.constant 8 : i32
    %add3A_498 = arith.addi %mul3A_2, %add3A_497 : i32
    %dma_start3A_499 = arith.constant 0 : i32
    %dma_start3A_500 = arith.constant 0 : i32
    %dma_start3A_501 = tpu.memref_slice %arg4[%add3A_498, %dma_start3A_499, %dma_start3A_500] : memref<1024x50x128xf32, #tpu.memory_space<hbm>> -> memref<8x50x128xf32, #tpu.memory_space<hbm>>
    %dma_start3A_502 = arith.constant 0 : i32
    %dma_start3A_503 = arith.constant 0 : i32
    %dma_start3A_504 = tpu.memref_slice %arg4[%add3A_498, %dma_start3A_502, %dma_start3A_503] : memref<1024x50x128xf32, #tpu.memory_space<hbm>> -> memref<8x50x128xf32, #tpu.memory_space<hbm>>
    tpu.enqueue_dma source(%arg7 : memref<8x50x128xf32, #tpu.memory_space<vmem>>) target(%dma_start3A_504 : memref<8x50x128xf32, #tpu.memory_space<hbm>>) target_semaphore(%arg11 : memref<!tpu.dma_semaphore, #tpu.memory_space<semaphore_mem>>)
    %add3A_505 = arith.constant 8 : i32
    %add3A_506 = arith.addi %mul3A_2, %add3A_505 : i32
    %dma_wait3A_507 = arith.constant 0 : i32
    %dma_wait3A_508 = arith.constant 0 : i32
    %dma_wait3A_509 = tpu.memref_slice %arg4[%add3A_506, %dma_wait3A_507, %dma_wait3A_508] : memref<1024x50x128xf32, #tpu.memory_space<hbm>> -> memref<8x50x128xf32, #tpu.memory_space<hbm>>
    %dma_wait3A_510 = arith.constant 0 : i32
    %dma_wait3A_511 = arith.constant 0 : i32
    %dma_wait3A_512 = tpu.memref_slice %arg4[%add3A_506, %dma_wait3A_510, %dma_wait3A_511] : memref<1024x50x128xf32, #tpu.memory_space<hbm>> -> memref<8x50x128xf32, #tpu.memory_space<hbm>>
    tpu.wait_dma2 semaphore(%arg11 : memref<!tpu.dma_semaphore, #tpu.memory_space<semaphore_mem>>) src(%arg7 : memref<8x50x128xf32, #tpu.memory_space<vmem>>) dst(%dma_wait3A_512 : memref<8x50x128xf32, #tpu.memory_space<hbm>>)
    %dma_start3A_513 = arith.constant 24 : i32
    %dma_start3A_514 = arith.constant 0 : i32
    %dma_start3A_515 = arith.constant 0 : i32
    %dma_start3A_516 = arith.constant 0 : i32
    %dma_start3A_517 = tpu.memref_slice %arg7[%dma_start3A_514, %dma_start3A_515, %dma_start3A_516] : memref<8x50x128xf32, #tpu.memory_space<vmem>> -> memref<1x50x128xf32, #tpu.memory_space<vmem>>
    %dma_start3A_518 = tpu.memref_squeeze %dma_start3A_517 : memref<1x50x128xf32, #tpu.memory_space<vmem>> -> memref<50x128xf32, #tpu.memory_space<vmem>>
    %dma_start3A_519 = arith.constant 0 : i32
    %dma_start3A_520 = tpu.memref_slice %arg5[%dma_start3A_513, %dma_start3A_519] : memref<32x50xi32, #tpu.memory_space<vmem>> -> memref<1x50xi32, #tpu.memory_space<vmem>>
    %dma_start3A_521 = tpu.memref_squeeze %dma_start3A_520 : memref<1x50xi32, #tpu.memory_space<vmem>> -> memref<50xi32, #tpu.memory_space<vmem>>
    %dma_start3A_522 = arith.constant 0 : i32
    %dma_start3A_523 = arith.constant 0 : i32
    %dma_start3A_524 = tpu.memref_slice %arg2[%dma_start3A_522, %dma_start3A_523] : memref<128x128xf32, #tpu.memory_space<hbm>> -> memref<128x128xf32, #tpu.memory_space<hbm>>
    tpu.enqueue_indirect_dma source(%dma_start3A_524 : memref<128x128xf32, #tpu.memory_space<hbm>>) target(%dma_start3A_518 : memref<50x128xf32, #tpu.memory_space<vmem>>) offsets(%dma_start3A_521 : memref<50xi32, #tpu.memory_space<vmem>>) semaphore(%arg9 : memref<!tpu.dma_semaphore, #tpu.memory_space<semaphore_mem>>)
    %dma_start3A_525 = arith.constant 25 : i32
    %dma_start3A_526 = arith.constant 1 : i32
    %dma_start3A_527 = arith.constant 0 : i32
    %dma_start3A_528 = arith.constant 0 : i32
    %dma_start3A_529 = tpu.memref_slice %arg7[%dma_start3A_526, %dma_start3A_527, %dma_start3A_528] : memref<8x50x128xf32, #tpu.memory_space<vmem>> -> memref<1x50x128xf32, #tpu.memory_space<vmem>>
    %dma_start3A_530 = tpu.memref_squeeze %dma_start3A_529 : memref<1x50x128xf32, #tpu.memory_space<vmem>> -> memref<50x128xf32, #tpu.memory_space<vmem>>
    %dma_start3A_531 = arith.constant 0 : i32
    %dma_start3A_532 = tpu.memref_slice %arg5[%dma_start3A_525, %dma_start3A_531] : memref<32x50xi32, #tpu.memory_space<vmem>> -> memref<1x50xi32, #tpu.memory_space<vmem>>
    %dma_start3A_533 = tpu.memref_squeeze %dma_start3A_532 : memref<1x50xi32, #tpu.memory_space<vmem>> -> memref<50xi32, #tpu.memory_space<vmem>>
    %dma_start3A_534 = arith.constant 0 : i32
    %dma_start3A_535 = arith.constant 0 : i32
    %dma_start3A_536 = tpu.memref_slice %arg2[%dma_start3A_534, %dma_start3A_535] : memref<128x128xf32, #tpu.memory_space<hbm>> -> memref<128x128xf32, #tpu.memory_space<hbm>>
    tpu.enqueue_indirect_dma source(%dma_start3A_536 : memref<128x128xf32, #tpu.memory_space<hbm>>) target(%dma_start3A_530 : memref<50x128xf32, #tpu.memory_space<vmem>>) offsets(%dma_start3A_533 : memref<50xi32, #tpu.memory_space<vmem>>) semaphore(%arg9 : memref<!tpu.dma_semaphore, #tpu.memory_space<semaphore_mem>>)
    %dma_start3A_537 = arith.constant 26 : i32
    %dma_start3A_538 = arith.constant 2 : i32
    %dma_start3A_539 = arith.constant 0 : i32
    %dma_start3A_540 = arith.constant 0 : i32
    %dma_start3A_541 = tpu.memref_slice %arg7[%dma_start3A_538, %dma_start3A_539, %dma_start3A_540] : memref<8x50x128xf32, #tpu.memory_space<vmem>> -> memref<1x50x128xf32, #tpu.memory_space<vmem>>
    %dma_start3A_542 = tpu.memref_squeeze %dma_start3A_541 : memref<1x50x128xf32, #tpu.memory_space<vmem>> -> memref<50x128xf32, #tpu.memory_space<vmem>>
    %dma_start3A_543 = arith.constant 0 : i32
    %dma_start3A_544 = tpu.memref_slice %arg5[%dma_start3A_537, %dma_start3A_543] : memref<32x50xi32, #tpu.memory_space<vmem>> -> memref<1x50xi32, #tpu.memory_space<vmem>>
    %dma_start3A_545 = tpu.memref_squeeze %dma_start3A_544 : memref<1x50xi32, #tpu.memory_space<vmem>> -> memref<50xi32, #tpu.memory_space<vmem>>
    %dma_start3A_546 = arith.constant 0 : i32
    %dma_start3A_547 = arith.constant 0 : i32
    %dma_start3A_548 = tpu.memref_slice %arg2[%dma_start3A_546, %dma_start3A_547] : memref<128x128xf32, #tpu.memory_space<hbm>> -> memref<128x128xf32, #tpu.memory_space<hbm>>
    tpu.enqueue_indirect_dma source(%dma_start3A_548 : memref<128x128xf32, #tpu.memory_space<hbm>>) target(%dma_start3A_542 : memref<50x128xf32, #tpu.memory_space<vmem>>) offsets(%dma_start3A_545 : memref<50xi32, #tpu.memory_space<vmem>>) semaphore(%arg9 : memref<!tpu.dma_semaphore, #tpu.memory_space<semaphore_mem>>)
    %dma_start3A_549 = arith.constant 27 : i32
    %dma_start3A_550 = arith.constant 3 : i32
    %dma_start3A_551 = arith.constant 0 : i32
    %dma_start3A_552 = arith.constant 0 : i32
    %dma_start3A_553 = tpu.memref_slice %arg7[%dma_start3A_550, %dma_start3A_551, %dma_start3A_552] : memref<8x50x128xf32, #tpu.memory_space<vmem>> -> memref<1x50x128xf32, #tpu.memory_space<vmem>>
    %dma_start3A_554 = tpu.memref_squeeze %dma_start3A_553 : memref<1x50x128xf32, #tpu.memory_space<vmem>> -> memref<50x128xf32, #tpu.memory_space<vmem>>
    %dma_start3A_555 = arith.constant 0 : i32
    %dma_start3A_556 = tpu.memref_slice %arg5[%dma_start3A_549, %dma_start3A_555] : memref<32x50xi32, #tpu.memory_space<vmem>> -> memref<1x50xi32, #tpu.memory_space<vmem>>
    %dma_start3A_557 = tpu.memref_squeeze %dma_start3A_556 : memref<1x50xi32, #tpu.memory_space<vmem>> -> memref<50xi32, #tpu.memory_space<vmem>>
    %dma_start3A_558 = arith.constant 0 : i32
    %dma_start3A_559 = arith.constant 0 : i32
    %dma_start3A_560 = tpu.memref_slice %arg2[%dma_start3A_558, %dma_start3A_559] : memref<128x128xf32, #tpu.memory_space<hbm>> -> memref<128x128xf32, #tpu.memory_space<hbm>>
    tpu.enqueue_indirect_dma source(%dma_start3A_560 : memref<128x128xf32, #tpu.memory_space<hbm>>) target(%dma_start3A_554 : memref<50x128xf32, #tpu.memory_space<vmem>>) offsets(%dma_start3A_557 : memref<50xi32, #tpu.memory_space<vmem>>) semaphore(%arg9 : memref<!tpu.dma_semaphore, #tpu.memory_space<semaphore_mem>>)
    %dma_start3A_561 = arith.constant 28 : i32
    %dma_start3A_562 = arith.constant 4 : i32
    %dma_start3A_563 = arith.constant 0 : i32
    %dma_start3A_564 = arith.constant 0 : i32
    %dma_start3A_565 = tpu.memref_slice %arg7[%dma_start3A_562, %dma_start3A_563, %dma_start3A_564] : memref<8x50x128xf32, #tpu.memory_space<vmem>> -> memref<1x50x128xf32, #tpu.memory_space<vmem>>
    %dma_start3A_566 = tpu.memref_squeeze %dma_start3A_565 : memref<1x50x128xf32, #tpu.memory_space<vmem>> -> memref<50x128xf32, #tpu.memory_space<vmem>>
    %dma_start3A_567 = arith.constant 0 : i32
    %dma_start3A_568 = tpu.memref_slice %arg5[%dma_start3A_561, %dma_start3A_567] : memref<32x50xi32, #tpu.memory_space<vmem>> -> memref<1x50xi32, #tpu.memory_space<vmem>>
    %dma_start3A_569 = tpu.memref_squeeze %dma_start3A_568 : memref<1x50xi32, #tpu.memory_space<vmem>> -> memref<50xi32, #tpu.memory_space<vmem>>
    %dma_start3A_570 = arith.constant 0 : i32
    %dma_start3A_571 = arith.constant 0 : i32
    %dma_start3A_572 = tpu.memref_slice %arg2[%dma_start3A_570, %dma_start3A_571] : memref<128x128xf32, #tpu.memory_space<hbm>> -> memref<128x128xf32, #tpu.memory_space<hbm>>
    tpu.enqueue_indirect_dma source(%dma_start3A_572 : memref<128x128xf32, #tpu.memory_space<hbm>>) target(%dma_start3A_566 : memref<50x128xf32, #tpu.memory_space<vmem>>) offsets(%dma_start3A_569 : memref<50xi32, #tpu.memory_space<vmem>>) semaphore(%arg9 : memref<!tpu.dma_semaphore, #tpu.memory_space<semaphore_mem>>)
    %dma_start3A_573 = arith.constant 29 : i32
    %dma_start3A_574 = arith.constant 5 : i32
    %dma_start3A_575 = arith.constant 0 : i32
    %dma_start3A_576 = arith.constant 0 : i32
    %dma_start3A_577 = tpu.memref_slice %arg7[%dma_start3A_574, %dma_start3A_575, %dma_start3A_576] : memref<8x50x128xf32, #tpu.memory_space<vmem>> -> memref<1x50x128xf32, #tpu.memory_space<vmem>>
    %dma_start3A_578 = tpu.memref_squeeze %dma_start3A_577 : memref<1x50x128xf32, #tpu.memory_space<vmem>> -> memref<50x128xf32, #tpu.memory_space<vmem>>
    %dma_start3A_579 = arith.constant 0 : i32
    %dma_start3A_580 = tpu.memref_slice %arg5[%dma_start3A_573, %dma_start3A_579] : memref<32x50xi32, #tpu.memory_space<vmem>> -> memref<1x50xi32, #tpu.memory_space<vmem>>
    %dma_start3A_581 = tpu.memref_squeeze %dma_start3A_580 : memref<1x50xi32, #tpu.memory_space<vmem>> -> memref<50xi32, #tpu.memory_space<vmem>>
    %dma_start3A_582 = arith.constant 0 : i32
    %dma_start3A_583 = arith.constant 0 : i32
    %dma_start3A_584 = tpu.memref_slice %arg2[%dma_start3A_582, %dma_start3A_583] : memref<128x128xf32, #tpu.memory_space<hbm>> -> memref<128x128xf32, #tpu.memory_space<hbm>>
    tpu.enqueue_indirect_dma source(%dma_start3A_584 : memref<128x128xf32, #tpu.memory_space<hbm>>) target(%dma_start3A_578 : memref<50x128xf32, #tpu.memory_space<vmem>>) offsets(%dma_start3A_581 : memref<50xi32, #tpu.memory_space<vmem>>) semaphore(%arg9 : memref<!tpu.dma_semaphore, #tpu.memory_space<semaphore_mem>>)
    %dma_start3A_585 = arith.constant 30 : i32
    %dma_start3A_586 = arith.constant 6 : i32
    %dma_start3A_587 = arith.constant 0 : i32
    %dma_start3A_588 = arith.constant 0 : i32
    %dma_start3A_589 = tpu.memref_slice %arg7[%dma_start3A_586, %dma_start3A_587, %dma_start3A_588] : memref<8x50x128xf32, #tpu.memory_space<vmem>> -> memref<1x50x128xf32, #tpu.memory_space<vmem>>
    %dma_start3A_590 = tpu.memref_squeeze %dma_start3A_589 : memref<1x50x128xf32, #tpu.memory_space<vmem>> -> memref<50x128xf32, #tpu.memory_space<vmem>>
    %dma_start3A_591 = arith.constant 0 : i32
    %dma_start3A_592 = tpu.memref_slice %arg5[%dma_start3A_585, %dma_start3A_591] : memref<32x50xi32, #tpu.memory_space<vmem>> -> memref<1x50xi32, #tpu.memory_space<vmem>>
    %dma_start3A_593 = tpu.memref_squeeze %dma_start3A_592 : memref<1x50xi32, #tpu.memory_space<vmem>> -> memref<50xi32, #tpu.memory_space<vmem>>
    %dma_start3A_594 = arith.constant 0 : i32
    %dma_start3A_595 = arith.constant 0 : i32
    %dma_start3A_596 = tpu.memref_slice %arg2[%dma_start3A_594, %dma_start3A_595] : memref<128x128xf32, #tpu.memory_space<hbm>> -> memref<128x128xf32, #tpu.memory_space<hbm>>
    tpu.enqueue_indirect_dma source(%dma_start3A_596 : memref<128x128xf32, #tpu.memory_space<hbm>>) target(%dma_start3A_590 : memref<50x128xf32, #tpu.memory_space<vmem>>) offsets(%dma_start3A_593 : memref<50xi32, #tpu.memory_space<vmem>>) semaphore(%arg9 : memref<!tpu.dma_semaphore, #tpu.memory_space<semaphore_mem>>)
    %dma_start3A_597 = arith.constant 31 : i32
    %dma_start3A_598 = arith.constant 7 : i32
    %dma_start3A_599 = arith.constant 0 : i32
    %dma_start3A_600 = arith.constant 0 : i32
    %dma_start3A_601 = tpu.memref_slice %arg7[%dma_start3A_598, %dma_start3A_599, %dma_start3A_600] : memref<8x50x128xf32, #tpu.memory_space<vmem>> -> memref<1x50x128xf32, #tpu.memory_space<vmem>>
    %dma_start3A_602 = tpu.memref_squeeze %dma_start3A_601 : memref<1x50x128xf32, #tpu.memory_space<vmem>> -> memref<50x128xf32, #tpu.memory_space<vmem>>
    %dma_start3A_603 = arith.constant 0 : i32
    %dma_start3A_604 = tpu.memref_slice %arg5[%dma_start3A_597, %dma_start3A_603] : memref<32x50xi32, #tpu.memory_space<vmem>> -> memref<1x50xi32, #tpu.memory_space<vmem>>
    %dma_start3A_605 = tpu.memref_squeeze %dma_start3A_604 : memref<1x50xi32, #tpu.memory_space<vmem>> -> memref<50xi32, #tpu.memory_space<vmem>>
    %dma_start3A_606 = arith.constant 0 : i32
    %dma_start3A_607 = arith.constant 0 : i32
    %dma_start3A_608 = tpu.memref_slice %arg2[%dma_start3A_606, %dma_start3A_607] : memref<128x128xf32, #tpu.memory_space<hbm>> -> memref<128x128xf32, #tpu.memory_space<hbm>>
    tpu.enqueue_indirect_dma source(%dma_start3A_608 : memref<128x128xf32, #tpu.memory_space<hbm>>) target(%dma_start3A_602 : memref<50x128xf32, #tpu.memory_space<vmem>>) offsets(%dma_start3A_605 : memref<50xi32, #tpu.memory_space<vmem>>) semaphore(%arg9 : memref<!tpu.dma_semaphore, #tpu.memory_space<semaphore_mem>>)
    %dma_wait3A_609 = arith.constant 16 : i32
    %dma_wait3A_610 = arith.constant 0 : i32
    %dma_wait3A_611 = arith.constant 0 : i32
    %dma_wait3A_612 = arith.constant 0 : i32
    %dma_wait3A_613 = tpu.memref_slice %arg6[%dma_wait3A_610, %dma_wait3A_611, %dma_wait3A_612] : memref<8x50x128xf32, #tpu.memory_space<vmem>> -> memref<1x50x128xf32, #tpu.memory_space<vmem>>
    %dma_wait3A_614 = tpu.memref_squeeze %dma_wait3A_613 : memref<1x50x128xf32, #tpu.memory_space<vmem>> -> memref<50x128xf32, #tpu.memory_space<vmem>>
    %dma_wait3A_615 = arith.constant 0 : i32
    %dma_wait3A_616 = tpu.memref_slice %arg5[%dma_wait3A_609, %dma_wait3A_615] : memref<32x50xi32, #tpu.memory_space<vmem>> -> memref<1x50xi32, #tpu.memory_space<vmem>>
    %dma_wait3A_617 = tpu.memref_squeeze %dma_wait3A_616 : memref<1x50xi32, #tpu.memory_space<vmem>> -> memref<50xi32, #tpu.memory_space<vmem>>
    %dma_wait3A_618 = arith.constant 0 : i32
    %dma_wait3A_619 = arith.constant 0 : i32
    %dma_wait3A_620 = tpu.memref_slice %arg2[%dma_wait3A_618, %dma_wait3A_619] : memref<128x128xf32, #tpu.memory_space<hbm>> -> memref<128x128xf32, #tpu.memory_space<hbm>>
    tpu.wait_indirect_dma semaphore(%arg8 : memref<!tpu.dma_semaphore, #tpu.memory_space<semaphore_mem>>) src(%dma_wait3A_620 : memref<128x128xf32, #tpu.memory_space<hbm>>) dst(%dma_wait3A_614 : memref<50x128xf32, #tpu.memory_space<vmem>>)
    %dma_wait3A_621 = arith.constant 17 : i32
    %dma_wait3A_622 = arith.constant 1 : i32
    %dma_wait3A_623 = arith.constant 0 : i32
    %dma_wait3A_624 = arith.constant 0 : i32
    %dma_wait3A_625 = tpu.memref_slice %arg6[%dma_wait3A_622, %dma_wait3A_623, %dma_wait3A_624] : memref<8x50x128xf32, #tpu.memory_space<vmem>> -> memref<1x50x128xf32, #tpu.memory_space<vmem>>
    %dma_wait3A_626 = tpu.memref_squeeze %dma_wait3A_625 : memref<1x50x128xf32, #tpu.memory_space<vmem>> -> memref<50x128xf32, #tpu.memory_space<vmem>>
    %dma_wait3A_627 = arith.constant 0 : i32
    %dma_wait3A_628 = tpu.memref_slice %arg5[%dma_wait3A_621, %dma_wait3A_627] : memref<32x50xi32, #tpu.memory_space<vmem>> -> memref<1x50xi32, #tpu.memory_space<vmem>>
    %dma_wait3A_629 = tpu.memref_squeeze %dma_wait3A_628 : memref<1x50xi32, #tpu.memory_space<vmem>> -> memref<50xi32, #tpu.memory_space<vmem>>
    %dma_wait3A_630 = arith.constant 0 : i32
    %dma_wait3A_631 = arith.constant 0 : i32
    %dma_wait3A_632 = tpu.memref_slice %arg2[%dma_wait3A_630, %dma_wait3A_631] : memref<128x128xf32, #tpu.memory_space<hbm>> -> memref<128x128xf32, #tpu.memory_space<hbm>>
    tpu.wait_indirect_dma semaphore(%arg8 : memref<!tpu.dma_semaphore, #tpu.memory_space<semaphore_mem>>) src(%dma_wait3A_632 : memref<128x128xf32, #tpu.memory_space<hbm>>) dst(%dma_wait3A_626 : memref<50x128xf32, #tpu.memory_space<vmem>>)
    %dma_wait3A_633 = arith.constant 18 : i32
    %dma_wait3A_634 = arith.constant 2 : i32
    %dma_wait3A_635 = arith.constant 0 : i32
    %dma_wait3A_636 = arith.constant 0 : i32
    %dma_wait3A_637 = tpu.memref_slice %arg6[%dma_wait3A_634, %dma_wait3A_635, %dma_wait3A_636] : memref<8x50x128xf32, #tpu.memory_space<vmem>> -> memref<1x50x128xf32, #tpu.memory_space<vmem>>
    %dma_wait3A_638 = tpu.memref_squeeze %dma_wait3A_637 : memref<1x50x128xf32, #tpu.memory_space<vmem>> -> memref<50x128xf32, #tpu.memory_space<vmem>>
    %dma_wait3A_639 = arith.constant 0 : i32
    %dma_wait3A_640 = tpu.memref_slice %arg5[%dma_wait3A_633, %dma_wait3A_639] : memref<32x50xi32, #tpu.memory_space<vmem>> -> memref<1x50xi32, #tpu.memory_space<vmem>>
    %dma_wait3A_641 = tpu.memref_squeeze %dma_wait3A_640 : memref<1x50xi32, #tpu.memory_space<vmem>> -> memref<50xi32, #tpu.memory_space<vmem>>
    %dma_wait3A_642 = arith.constant 0 : i32
    %dma_wait3A_643 = arith.constant 0 : i32
    %dma_wait3A_644 = tpu.memref_slice %arg2[%dma_wait3A_642, %dma_wait3A_643] : memref<128x128xf32, #tpu.memory_space<hbm>> -> memref<128x128xf32, #tpu.memory_space<hbm>>
    tpu.wait_indirect_dma semaphore(%arg8 : memref<!tpu.dma_semaphore, #tpu.memory_space<semaphore_mem>>) src(%dma_wait3A_644 : memref<128x128xf32, #tpu.memory_space<hbm>>) dst(%dma_wait3A_638 : memref<50x128xf32, #tpu.memory_space<vmem>>)
    %dma_wait3A_645 = arith.constant 19 : i32
    %dma_wait3A_646 = arith.constant 3 : i32
    %dma_wait3A_647 = arith.constant 0 : i32
    %dma_wait3A_648 = arith.constant 0 : i32
    %dma_wait3A_649 = tpu.memref_slice %arg6[%dma_wait3A_646, %dma_wait3A_647, %dma_wait3A_648] : memref<8x50x128xf32, #tpu.memory_space<vmem>> -> memref<1x50x128xf32, #tpu.memory_space<vmem>>
    %dma_wait3A_650 = tpu.memref_squeeze %dma_wait3A_649 : memref<1x50x128xf32, #tpu.memory_space<vmem>> -> memref<50x128xf32, #tpu.memory_space<vmem>>
    %dma_wait3A_651 = arith.constant 0 : i32
    %dma_wait3A_652 = tpu.memref_slice %arg5[%dma_wait3A_645, %dma_wait3A_651] : memref<32x50xi32, #tpu.memory_space<vmem>> -> memref<1x50xi32, #tpu.memory_space<vmem>>
    %dma_wait3A_653 = tpu.memref_squeeze %dma_wait3A_652 : memref<1x50xi32, #tpu.memory_space<vmem>> -> memref<50xi32, #tpu.memory_space<vmem>>
    %dma_wait3A_654 = arith.constant 0 : i32
    %dma_wait3A_655 = arith.constant 0 : i32
    %dma_wait3A_656 = tpu.memref_slice %arg2[%dma_wait3A_654, %dma_wait3A_655] : memref<128x128xf32, #tpu.memory_space<hbm>> -> memref<128x128xf32, #tpu.memory_space<hbm>>
    tpu.wait_indirect_dma semaphore(%arg8 : memref<!tpu.dma_semaphore, #tpu.memory_space<semaphore_mem>>) src(%dma_wait3A_656 : memref<128x128xf32, #tpu.memory_space<hbm>>) dst(%dma_wait3A_650 : memref<50x128xf32, #tpu.memory_space<vmem>>)
    %dma_wait3A_657 = arith.constant 20 : i32
    %dma_wait3A_658 = arith.constant 4 : i32
    %dma_wait3A_659 = arith.constant 0 : i32
    %dma_wait3A_660 = arith.constant 0 : i32
    %dma_wait3A_661 = tpu.memref_slice %arg6[%dma_wait3A_658, %dma_wait3A_659, %dma_wait3A_660] : memref<8x50x128xf32, #tpu.memory_space<vmem>> -> memref<1x50x128xf32, #tpu.memory_space<vmem>>
    %dma_wait3A_662 = tpu.memref_squeeze %dma_wait3A_661 : memref<1x50x128xf32, #tpu.memory_space<vmem>> -> memref<50x128xf32, #tpu.memory_space<vmem>>
    %dma_wait3A_663 = arith.constant 0 : i32
    %dma_wait3A_664 = tpu.memref_slice %arg5[%dma_wait3A_657, %dma_wait3A_663] : memref<32x50xi32, #tpu.memory_space<vmem>> -> memref<1x50xi32, #tpu.memory_space<vmem>>
    %dma_wait3A_665 = tpu.memref_squeeze %dma_wait3A_664 : memref<1x50xi32, #tpu.memory_space<vmem>> -> memref<50xi32, #tpu.memory_space<vmem>>
    %dma_wait3A_666 = arith.constant 0 : i32
    %dma_wait3A_667 = arith.constant 0 : i32
    %dma_wait3A_668 = tpu.memref_slice %arg2[%dma_wait3A_666, %dma_wait3A_667] : memref<128x128xf32, #tpu.memory_space<hbm>> -> memref<128x128xf32, #tpu.memory_space<hbm>>
    tpu.wait_indirect_dma semaphore(%arg8 : memref<!tpu.dma_semaphore, #tpu.memory_space<semaphore_mem>>) src(%dma_wait3A_668 : memref<128x128xf32, #tpu.memory_space<hbm>>) dst(%dma_wait3A_662 : memref<50x128xf32, #tpu.memory_space<vmem>>)
    %dma_wait3A_669 = arith.constant 21 : i32
    %dma_wait3A_670 = arith.constant 5 : i32
    %dma_wait3A_671 = arith.constant 0 : i32
    %dma_wait3A_672 = arith.constant 0 : i32
    %dma_wait3A_673 = tpu.memref_slice %arg6[%dma_wait3A_670, %dma_wait3A_671, %dma_wait3A_672] : memref<8x50x128xf32, #tpu.memory_space<vmem>> -> memref<1x50x128xf32, #tpu.memory_space<vmem>>
    %dma_wait3A_674 = tpu.memref_squeeze %dma_wait3A_673 : memref<1x50x128xf32, #tpu.memory_space<vmem>> -> memref<50x128xf32, #tpu.memory_space<vmem>>
    %dma_wait3A_675 = arith.constant 0 : i32
    %dma_wait3A_676 = tpu.memref_slice %arg5[%dma_wait3A_669, %dma_wait3A_675] : memref<32x50xi32, #tpu.memory_space<vmem>> -> memref<1x50xi32, #tpu.memory_space<vmem>>
    %dma_wait3A_677 = tpu.memref_squeeze %dma_wait3A_676 : memref<1x50xi32, #tpu.memory_space<vmem>> -> memref<50xi32, #tpu.memory_space<vmem>>
    %dma_wait3A_678 = arith.constant 0 : i32
    %dma_wait3A_679 = arith.constant 0 : i32
    %dma_wait3A_680 = tpu.memref_slice %arg2[%dma_wait3A_678, %dma_wait3A_679] : memref<128x128xf32, #tpu.memory_space<hbm>> -> memref<128x128xf32, #tpu.memory_space<hbm>>
    tpu.wait_indirect_dma semaphore(%arg8 : memref<!tpu.dma_semaphore, #tpu.memory_space<semaphore_mem>>) src(%dma_wait3A_680 : memref<128x128xf32, #tpu.memory_space<hbm>>) dst(%dma_wait3A_674 : memref<50x128xf32, #tpu.memory_space<vmem>>)
    %dma_wait3A_681 = arith.constant 22 : i32
    %dma_wait3A_682 = arith.constant 6 : i32
    %dma_wait3A_683 = arith.constant 0 : i32
    %dma_wait3A_684 = arith.constant 0 : i32
    %dma_wait3A_685 = tpu.memref_slice %arg6[%dma_wait3A_682, %dma_wait3A_683, %dma_wait3A_684] : memref<8x50x128xf32, #tpu.memory_space<vmem>> -> memref<1x50x128xf32, #tpu.memory_space<vmem>>
    %dma_wait3A_686 = tpu.memref_squeeze %dma_wait3A_685 : memref<1x50x128xf32, #tpu.memory_space<vmem>> -> memref<50x128xf32, #tpu.memory_space<vmem>>
    %dma_wait3A_687 = arith.constant 0 : i32
    %dma_wait3A_688 = tpu.memref_slice %arg5[%dma_wait3A_681, %dma_wait3A_687] : memref<32x50xi32, #tpu.memory_space<vmem>> -> memref<1x50xi32, #tpu.memory_space<vmem>>
    %dma_wait3A_689 = tpu.memref_squeeze %dma_wait3A_688 : memref<1x50xi32, #tpu.memory_space<vmem>> -> memref<50xi32, #tpu.memory_space<vmem>>
    %dma_wait3A_690 = arith.constant 0 : i32
    %dma_wait3A_691 = arith.constant 0 : i32
    %dma_wait3A_692 = tpu.memref_slice %arg2[%dma_wait3A_690, %dma_wait3A_691] : memref<128x128xf32, #tpu.memory_space<hbm>> -> memref<128x128xf32, #tpu.memory_space<hbm>>
    tpu.wait_indirect_dma semaphore(%arg8 : memref<!tpu.dma_semaphore, #tpu.memory_space<semaphore_mem>>) src(%dma_wait3A_692 : memref<128x128xf32, #tpu.memory_space<hbm>>) dst(%dma_wait3A_686 : memref<50x128xf32, #tpu.memory_space<vmem>>)
    %dma_wait3A_693 = arith.constant 23 : i32
    %dma_wait3A_694 = arith.constant 7 : i32
    %dma_wait3A_695 = arith.constant 0 : i32
    %dma_wait3A_696 = arith.constant 0 : i32
    %dma_wait3A_697 = tpu.memref_slice %arg6[%dma_wait3A_694, %dma_wait3A_695, %dma_wait3A_696] : memref<8x50x128xf32, #tpu.memory_space<vmem>> -> memref<1x50x128xf32, #tpu.memory_space<vmem>>
    %dma_wait3A_698 = tpu.memref_squeeze %dma_wait3A_697 : memref<1x50x128xf32, #tpu.memory_space<vmem>> -> memref<50x128xf32, #tpu.memory_space<vmem>>
    %dma_wait3A_699 = arith.constant 0 : i32
    %dma_wait3A_700 = tpu.memref_slice %arg5[%dma_wait3A_693, %dma_wait3A_699] : memref<32x50xi32, #tpu.memory_space<vmem>> -> memref<1x50xi32, #tpu.memory_space<vmem>>
    %dma_wait3A_701 = tpu.memref_squeeze %dma_wait3A_700 : memref<1x50xi32, #tpu.memory_space<vmem>> -> memref<50xi32, #tpu.memory_space<vmem>>
    %dma_wait3A_702 = arith.constant 0 : i32
    %dma_wait3A_703 = arith.constant 0 : i32
    %dma_wait3A_704 = tpu.memref_slice %arg2[%dma_wait3A_702, %dma_wait3A_703] : memref<128x128xf32, #tpu.memory_space<hbm>> -> memref<128x128xf32, #tpu.memory_space<hbm>>
    tpu.wait_indirect_dma semaphore(%arg8 : memref<!tpu.dma_semaphore, #tpu.memory_space<semaphore_mem>>) src(%dma_wait3A_704 : memref<128x128xf32, #tpu.memory_space<hbm>>) dst(%dma_wait3A_698 : memref<50x128xf32, #tpu.memory_space<vmem>>)
    %add3A_705 = arith.constant 16 : i32
    %add3A_706 = arith.addi %mul3A_2, %add3A_705 : i32
    %dma_start3A_707 = arith.constant 0 : i32
    %dma_start3A_708 = arith.constant 0 : i32
    %dma_start3A_709 = tpu.memref_slice %arg4[%add3A_706, %dma_start3A_707, %dma_start3A_708] : memref<1024x50x128xf32, #tpu.memory_space<hbm>> -> memref<8x50x128xf32, #tpu.memory_space<hbm>>
    %dma_start3A_710 = arith.constant 0 : i32
    %dma_start3A_711 = arith.constant 0 : i32
    %dma_start3A_712 = tpu.memref_slice %arg4[%add3A_706, %dma_start3A_710, %dma_start3A_711] : memref<1024x50x128xf32, #tpu.memory_space<hbm>> -> memref<8x50x128xf32, #tpu.memory_space<hbm>>
    tpu.enqueue_dma source(%arg6 : memref<8x50x128xf32, #tpu.memory_space<vmem>>) target(%dma_start3A_712 : memref<8x50x128xf32, #tpu.memory_space<hbm>>) target_semaphore(%arg10 : memref<!tpu.dma_semaphore, #tpu.memory_space<semaphore_mem>>)
    %dma_wait3A_713 = arith.constant 24 : i32
    %dma_wait3A_714 = arith.constant 0 : i32
    %dma_wait3A_715 = arith.constant 0 : i32
    %dma_wait3A_716 = arith.constant 0 : i32
    %dma_wait3A_717 = tpu.memref_slice %arg7[%dma_wait3A_714, %dma_wait3A_715, %dma_wait3A_716] : memref<8x50x128xf32, #tpu.memory_space<vmem>> -> memref<1x50x128xf32, #tpu.memory_space<vmem>>
    %dma_wait3A_718 = tpu.memref_squeeze %dma_wait3A_717 : memref<1x50x128xf32, #tpu.memory_space<vmem>> -> memref<50x128xf32, #tpu.memory_space<vmem>>
    %dma_wait3A_719 = arith.constant 0 : i32
    %dma_wait3A_720 = tpu.memref_slice %arg5[%dma_wait3A_713, %dma_wait3A_719] : memref<32x50xi32, #tpu.memory_space<vmem>> -> memref<1x50xi32, #tpu.memory_space<vmem>>
    %dma_wait3A_721 = tpu.memref_squeeze %dma_wait3A_720 : memref<1x50xi32, #tpu.memory_space<vmem>> -> memref<50xi32, #tpu.memory_space<vmem>>
    %dma_wait3A_722 = arith.constant 0 : i32
    %dma_wait3A_723 = arith.constant 0 : i32
    %dma_wait3A_724 = tpu.memref_slice %arg2[%dma_wait3A_722, %dma_wait3A_723] : memref<128x128xf32, #tpu.memory_space<hbm>> -> memref<128x128xf32, #tpu.memory_space<hbm>>
    tpu.wait_indirect_dma semaphore(%arg9 : memref<!tpu.dma_semaphore, #tpu.memory_space<semaphore_mem>>) src(%dma_wait3A_724 : memref<128x128xf32, #tpu.memory_space<hbm>>) dst(%dma_wait3A_718 : memref<50x128xf32, #tpu.memory_space<vmem>>)
    %dma_wait3A_725 = arith.constant 25 : i32
    %dma_wait3A_726 = arith.constant 1 : i32
    %dma_wait3A_727 = arith.constant 0 : i32
    %dma_wait3A_728 = arith.constant 0 : i32
    %dma_wait3A_729 = tpu.memref_slice %arg7[%dma_wait3A_726, %dma_wait3A_727, %dma_wait3A_728] : memref<8x50x128xf32, #tpu.memory_space<vmem>> -> memref<1x50x128xf32, #tpu.memory_space<vmem>>
    %dma_wait3A_730 = tpu.memref_squeeze %dma_wait3A_729 : memref<1x50x128xf32, #tpu.memory_space<vmem>> -> memref<50x128xf32, #tpu.memory_space<vmem>>
    %dma_wait3A_731 = arith.constant 0 : i32
    %dma_wait3A_732 = tpu.memref_slice %arg5[%dma_wait3A_725, %dma_wait3A_731] : memref<32x50xi32, #tpu.memory_space<vmem>> -> memref<1x50xi32, #tpu.memory_space<vmem>>
    %dma_wait3A_733 = tpu.memref_squeeze %dma_wait3A_732 : memref<1x50xi32, #tpu.memory_space<vmem>> -> memref<50xi32, #tpu.memory_space<vmem>>
    %dma_wait3A_734 = arith.constant 0 : i32
    %dma_wait3A_735 = arith.constant 0 : i32
    %dma_wait3A_736 = tpu.memref_slice %arg2[%dma_wait3A_734, %dma_wait3A_735] : memref<128x128xf32, #tpu.memory_space<hbm>> -> memref<128x128xf32, #tpu.memory_space<hbm>>
    tpu.wait_indirect_dma semaphore(%arg9 : memref<!tpu.dma_semaphore, #tpu.memory_space<semaphore_mem>>) src(%dma_wait3A_736 : memref<128x128xf32, #tpu.memory_space<hbm>>) dst(%dma_wait3A_730 : memref<50x128xf32, #tpu.memory_space<vmem>>)
    %dma_wait3A_737 = arith.constant 26 : i32
    %dma_wait3A_738 = arith.constant 2 : i32
    %dma_wait3A_739 = arith.constant 0 : i32
    %dma_wait3A_740 = arith.constant 0 : i32
    %dma_wait3A_741 = tpu.memref_slice %arg7[%dma_wait3A_738, %dma_wait3A_739, %dma_wait3A_740] : memref<8x50x128xf32, #tpu.memory_space<vmem>> -> memref<1x50x128xf32, #tpu.memory_space<vmem>>
    %dma_wait3A_742 = tpu.memref_squeeze %dma_wait3A_741 : memref<1x50x128xf32, #tpu.memory_space<vmem>> -> memref<50x128xf32, #tpu.memory_space<vmem>>
    %dma_wait3A_743 = arith.constant 0 : i32
    %dma_wait3A_744 = tpu.memref_slice %arg5[%dma_wait3A_737, %dma_wait3A_743] : memref<32x50xi32, #tpu.memory_space<vmem>> -> memref<1x50xi32, #tpu.memory_space<vmem>>
    %dma_wait3A_745 = tpu.memref_squeeze %dma_wait3A_744 : memref<1x50xi32, #tpu.memory_space<vmem>> -> memref<50xi32, #tpu.memory_space<vmem>>
    %dma_wait3A_746 = arith.constant 0 : i32
    %dma_wait3A_747 = arith.constant 0 : i32
    %dma_wait3A_748 = tpu.memref_slice %arg2[%dma_wait3A_746, %dma_wait3A_747] : memref<128x128xf32, #tpu.memory_space<hbm>> -> memref<128x128xf32, #tpu.memory_space<hbm>>
    tpu.wait_indirect_dma semaphore(%arg9 : memref<!tpu.dma_semaphore, #tpu.memory_space<semaphore_mem>>) src(%dma_wait3A_748 : memref<128x128xf32, #tpu.memory_space<hbm>>) dst(%dma_wait3A_742 : memref<50x128xf32, #tpu.memory_space<vmem>>)
    %dma_wait3A_749 = arith.constant 27 : i32
    %dma_wait3A_750 = arith.constant 3 : i32
    %dma_wait3A_751 = arith.constant 0 : i32
    %dma_wait3A_752 = arith.constant 0 : i32
    %dma_wait3A_753 = tpu.memref_slice %arg7[%dma_wait3A_750, %dma_wait3A_751, %dma_wait3A_752] : memref<8x50x128xf32, #tpu.memory_space<vmem>> -> memref<1x50x128xf32, #tpu.memory_space<vmem>>
    %dma_wait3A_754 = tpu.memref_squeeze %dma_wait3A_753 : memref<1x50x128xf32, #tpu.memory_space<vmem>> -> memref<50x128xf32, #tpu.memory_space<vmem>>
    %dma_wait3A_755 = arith.constant 0 : i32
    %dma_wait3A_756 = tpu.memref_slice %arg5[%dma_wait3A_749, %dma_wait3A_755] : memref<32x50xi32, #tpu.memory_space<vmem>> -> memref<1x50xi32, #tpu.memory_space<vmem>>
    %dma_wait3A_757 = tpu.memref_squeeze %dma_wait3A_756 : memref<1x50xi32, #tpu.memory_space<vmem>> -> memref<50xi32, #tpu.memory_space<vmem>>
    %dma_wait3A_758 = arith.constant 0 : i32
    %dma_wait3A_759 = arith.constant 0 : i32
    %dma_wait3A_760 = tpu.memref_slice %arg2[%dma_wait3A_758, %dma_wait3A_759] : memref<128x128xf32, #tpu.memory_space<hbm>> -> memref<128x128xf32, #tpu.memory_space<hbm>>
    tpu.wait_indirect_dma semaphore(%arg9 : memref<!tpu.dma_semaphore, #tpu.memory_space<semaphore_mem>>) src(%dma_wait3A_760 : memref<128x128xf32, #tpu.memory_space<hbm>>) dst(%dma_wait3A_754 : memref<50x128xf32, #tpu.memory_space<vmem>>)
    %dma_wait3A_761 = arith.constant 28 : i32
    %dma_wait3A_762 = arith.constant 4 : i32
    %dma_wait3A_763 = arith.constant 0 : i32
    %dma_wait3A_764 = arith.constant 0 : i32
    %dma_wait3A_765 = tpu.memref_slice %arg7[%dma_wait3A_762, %dma_wait3A_763, %dma_wait3A_764] : memref<8x50x128xf32, #tpu.memory_space<vmem>> -> memref<1x50x128xf32, #tpu.memory_space<vmem>>
    %dma_wait3A_766 = tpu.memref_squeeze %dma_wait3A_765 : memref<1x50x128xf32, #tpu.memory_space<vmem>> -> memref<50x128xf32, #tpu.memory_space<vmem>>
    %dma_wait3A_767 = arith.constant 0 : i32
    %dma_wait3A_768 = tpu.memref_slice %arg5[%dma_wait3A_761, %dma_wait3A_767] : memref<32x50xi32, #tpu.memory_space<vmem>> -> memref<1x50xi32, #tpu.memory_space<vmem>>
    %dma_wait3A_769 = tpu.memref_squeeze %dma_wait3A_768 : memref<1x50xi32, #tpu.memory_space<vmem>> -> memref<50xi32, #tpu.memory_space<vmem>>
    %dma_wait3A_770 = arith.constant 0 : i32
    %dma_wait3A_771 = arith.constant 0 : i32
    %dma_wait3A_772 = tpu.memref_slice %arg2[%dma_wait3A_770, %dma_wait3A_771] : memref<128x128xf32, #tpu.memory_space<hbm>> -> memref<128x128xf32, #tpu.memory_space<hbm>>
    tpu.wait_indirect_dma semaphore(%arg9 : memref<!tpu.dma_semaphore, #tpu.memory_space<semaphore_mem>>) src(%dma_wait3A_772 : memref<128x128xf32, #tpu.memory_space<hbm>>) dst(%dma_wait3A_766 : memref<50x128xf32, #tpu.memory_space<vmem>>)
    %dma_wait3A_773 = arith.constant 29 : i32
    %dma_wait3A_774 = arith.constant 5 : i32
    %dma_wait3A_775 = arith.constant 0 : i32
    %dma_wait3A_776 = arith.constant 0 : i32
    %dma_wait3A_777 = tpu.memref_slice %arg7[%dma_wait3A_774, %dma_wait3A_775, %dma_wait3A_776] : memref<8x50x128xf32, #tpu.memory_space<vmem>> -> memref<1x50x128xf32, #tpu.memory_space<vmem>>
    %dma_wait3A_778 = tpu.memref_squeeze %dma_wait3A_777 : memref<1x50x128xf32, #tpu.memory_space<vmem>> -> memref<50x128xf32, #tpu.memory_space<vmem>>
    %dma_wait3A_779 = arith.constant 0 : i32
    %dma_wait3A_780 = tpu.memref_slice %arg5[%dma_wait3A_773, %dma_wait3A_779] : memref<32x50xi32, #tpu.memory_space<vmem>> -> memref<1x50xi32, #tpu.memory_space<vmem>>
    %dma_wait3A_781 = tpu.memref_squeeze %dma_wait3A_780 : memref<1x50xi32, #tpu.memory_space<vmem>> -> memref<50xi32, #tpu.memory_space<vmem>>
    %dma_wait3A_782 = arith.constant 0 : i32
    %dma_wait3A_783 = arith.constant 0 : i32
    %dma_wait3A_784 = tpu.memref_slice %arg2[%dma_wait3A_782, %dma_wait3A_783] : memref<128x128xf32, #tpu.memory_space<hbm>> -> memref<128x128xf32, #tpu.memory_space<hbm>>
    tpu.wait_indirect_dma semaphore(%arg9 : memref<!tpu.dma_semaphore, #tpu.memory_space<semaphore_mem>>) src(%dma_wait3A_784 : memref<128x128xf32, #tpu.memory_space<hbm>>) dst(%dma_wait3A_778 : memref<50x128xf32, #tpu.memory_space<vmem>>)
    %dma_wait3A_785 = arith.constant 30 : i32
    %dma_wait3A_786 = arith.constant 6 : i32
    %dma_wait3A_787 = arith.constant 0 : i32
    %dma_wait3A_788 = arith.constant 0 : i32
    %dma_wait3A_789 = tpu.memref_slice %arg7[%dma_wait3A_786, %dma_wait3A_787, %dma_wait3A_788] : memref<8x50x128xf32, #tpu.memory_space<vmem>> -> memref<1x50x128xf32, #tpu.memory_space<vmem>>
    %dma_wait3A_790 = tpu.memref_squeeze %dma_wait3A_789 : memref<1x50x128xf32, #tpu.memory_space<vmem>> -> memref<50x128xf32, #tpu.memory_space<vmem>>
    %dma_wait3A_791 = arith.constant 0 : i32
    %dma_wait3A_792 = tpu.memref_slice %arg5[%dma_wait3A_785, %dma_wait3A_791] : memref<32x50xi32, #tpu.memory_space<vmem>> -> memref<1x50xi32, #tpu.memory_space<vmem>>
    %dma_wait3A_793 = tpu.memref_squeeze %dma_wait3A_792 : memref<1x50xi32, #tpu.memory_space<vmem>> -> memref<50xi32, #tpu.memory_space<vmem>>
    %dma_wait3A_794 = arith.constant 0 : i32
    %dma_wait3A_795 = arith.constant 0 : i32
    %dma_wait3A_796 = tpu.memref_slice %arg2[%dma_wait3A_794, %dma_wait3A_795] : memref<128x128xf32, #tpu.memory_space<hbm>> -> memref<128x128xf32, #tpu.memory_space<hbm>>
    tpu.wait_indirect_dma semaphore(%arg9 : memref<!tpu.dma_semaphore, #tpu.memory_space<semaphore_mem>>) src(%dma_wait3A_796 : memref<128x128xf32, #tpu.memory_space<hbm>>) dst(%dma_wait3A_790 : memref<50x128xf32, #tpu.memory_space<vmem>>)
    %dma_wait3A_797 = arith.constant 31 : i32
    %dma_wait3A_798 = arith.constant 7 : i32
    %dma_wait3A_799 = arith.constant 0 : i32
    %dma_wait3A_800 = arith.constant 0 : i32
    %dma_wait3A_801 = tpu.memref_slice %arg7[%dma_wait3A_798, %dma_wait3A_799, %dma_wait3A_800] : memref<8x50x128xf32, #tpu.memory_space<vmem>> -> memref<1x50x128xf32, #tpu.memory_space<vmem>>
    %dma_wait3A_802 = tpu.memref_squeeze %dma_wait3A_801 : memref<1x50x128xf32, #tpu.memory_space<vmem>> -> memref<50x128xf32, #tpu.memory_space<vmem>>
    %dma_wait3A_803 = arith.constant 0 : i32
    %dma_wait3A_804 = tpu.memref_slice %arg5[%dma_wait3A_797, %dma_wait3A_803] : memref<32x50xi32, #tpu.memory_space<vmem>> -> memref<1x50xi32, #tpu.memory_space<vmem>>
    %dma_wait3A_805 = tpu.memref_squeeze %dma_wait3A_804 : memref<1x50xi32, #tpu.memory_space<vmem>> -> memref<50xi32, #tpu.memory_space<vmem>>
    %dma_wait3A_806 = arith.constant 0 : i32
    %dma_wait3A_807 = arith.constant 0 : i32
    %dma_wait3A_808 = tpu.memref_slice %arg2[%dma_wait3A_806, %dma_wait3A_807] : memref<128x128xf32, #tpu.memory_space<hbm>> -> memref<128x128xf32, #tpu.memory_space<hbm>>
    tpu.wait_indirect_dma semaphore(%arg9 : memref<!tpu.dma_semaphore, #tpu.memory_space<semaphore_mem>>) src(%dma_wait3A_808 : memref<128x128xf32, #tpu.memory_space<hbm>>) dst(%dma_wait3A_802 : memref<50x128xf32, #tpu.memory_space<vmem>>)
    %add3A_809 = arith.constant 24 : i32
    %add3A_810 = arith.addi %mul3A_2, %add3A_809 : i32
    %dma_start3A_811 = arith.constant 0 : i32
    %dma_start3A_812 = arith.constant 0 : i32
    %dma_start3A_813 = tpu.memref_slice %arg4[%add3A_810, %dma_start3A_811, %dma_start3A_812] : memref<1024x50x128xf32, #tpu.memory_space<hbm>> -> memref<8x50x128xf32, #tpu.memory_space<hbm>>
    %dma_start3A_814 = arith.constant 0 : i32
    %dma_start3A_815 = arith.constant 0 : i32
    %dma_start3A_816 = tpu.memref_slice %arg4[%add3A_810, %dma_start3A_814, %dma_start3A_815] : memref<1024x50x128xf32, #tpu.memory_space<hbm>> -> memref<8x50x128xf32, #tpu.memory_space<hbm>>
    tpu.enqueue_dma source(%arg7 : memref<8x50x128xf32, #tpu.memory_space<vmem>>) target(%dma_start3A_816 : memref<8x50x128xf32, #tpu.memory_space<hbm>>) target_semaphore(%arg11 : memref<!tpu.dma_semaphore, #tpu.memory_space<semaphore_mem>>)
    %add3A_817 = arith.constant 24 : i32
    %add3A_818 = arith.addi %mul3A_2, %add3A_817 : i32
    %dma_wait3A_819 = arith.constant 0 : i32
    %dma_wait3A_820 = arith.constant 0 : i32
    %dma_wait3A_821 = tpu.memref_slice %arg4[%add3A_818, %dma_wait3A_819, %dma_wait3A_820] : memref<1024x50x128xf32, #tpu.memory_space<hbm>> -> memref<8x50x128xf32, #tpu.memory_space<hbm>>
    %dma_wait3A_822 = arith.constant 0 : i32
    %dma_wait3A_823 = arith.constant 0 : i32
    %dma_wait3A_824 = tpu.memref_slice %arg4[%add3A_818, %dma_wait3A_822, %dma_wait3A_823] : memref<1024x50x128xf32, #tpu.memory_space<hbm>> -> memref<8x50x128xf32, #tpu.memory_space<hbm>>
    tpu.wait_dma2 semaphore(%arg11 : memref<!tpu.dma_semaphore, #tpu.memory_space<semaphore_mem>>) src(%arg7 : memref<8x50x128xf32, #tpu.memory_space<vmem>>) dst(%dma_wait3A_824 : memref<8x50x128xf32, #tpu.memory_space<hbm>>)
    %add3A_825 = arith.constant 16 : i32
    %add3A_826 = arith.addi %mul3A_2, %add3A_825 : i32
    %dma_wait3A_827 = arith.constant 0 : i32
    %dma_wait3A_828 = arith.constant 0 : i32
    %dma_wait3A_829 = tpu.memref_slice %arg4[%add3A_826, %dma_wait3A_827, %dma_wait3A_828] : memref<1024x50x128xf32, #tpu.memory_space<hbm>> -> memref<8x50x128xf32, #tpu.memory_space<hbm>>
    %dma_wait3A_830 = arith.constant 0 : i32
    %dma_wait3A_831 = arith.constant 0 : i32
    %dma_wait3A_832 = tpu.memref_slice %arg4[%add3A_826, %dma_wait3A_830, %dma_wait3A_831] : memref<1024x50x128xf32, #tpu.memory_space<hbm>> -> memref<8x50x128xf32, #tpu.memory_space<hbm>>
    tpu.wait_dma2 semaphore(%arg10 : memref<!tpu.dma_semaphore, #tpu.memory_space<semaphore_mem>>) src(%arg6 : memref<8x50x128xf32, #tpu.memory_space<vmem>>) dst(%dma_wait3A_832 : memref<8x50x128xf32, #tpu.memory_space<hbm>>)
    return
  }
}

module attributes {stable_mosaic.version = 14 : i64} {
  func.func @_table_body(%arg0: memref<128x128xf32, #tpu.memory_space<vmem>>, %arg1: memref<768x128xi32, #tpu.memory_space<vmem>>, %arg2: memref<64x256xf32, #tpu.memory_space<vmem>>, %arg3: memref<64x256xf32, #tpu.memory_space<vmem>>, %arg4: memref<128x128xf32, #tpu.memory_space<vmem>>) attributes {dimension_semantics = [], scalar_prefetch = 0 : i64, scratch_operands = 0 : i64, tpu.core_type = #tpu.core_type<tc>} {
    %get3A = arith.constant 0 : index
    %get3A_0 = arith.constant 0 : index
    %get3A_1 = vector.load %arg0[%get3A, %get3A_0] : memref<128x128xf32, #tpu.memory_space<vmem>>, vector<128x128xf32>
    %get3A_2 = arith.constant 0 : index
    %get3A_3 = arith.constant 0 : index
    %get3A_4 = vector.load %arg2[%get3A_2, %get3A_3] : memref<64x256xf32, #tpu.memory_space<vmem>>, vector<64x256xf32>
    %get3A_5 = arith.constant 0 : index
    %get3A_6 = arith.constant 0 : index
    %get3A_7 = vector.load %arg3[%get3A_5, %get3A_6] : memref<64x256xf32, #tpu.memory_space<vmem>>, vector<64x256xf32>
    %mul3A = arith.mulf %get3A_4, %get3A_7 : vector<64x256xf32>
    %reduce_sum3A = arith.constant dense<0.000000e+00> : vector<256xf32>
    %reduce_sum3A_8 = vector.multi_reduction <add>, %mul3A, %reduce_sum3A [0] : vector<64x256xf32> to vector<256xf32>
    %broadcast_in_dim3A = vector.shape_cast %reduce_sum3A_8 : vector<256xf32> to vector<1x256xf32>
    %slice3A = vector.extract_strided_slice %broadcast_in_dim3A {offsets = [0, 0], sizes = [1, 128], strides = [1, 1]} : vector<1x256xf32> to vector<1x128xf32>
    %slice3A_9 = vector.extract_strided_slice %broadcast_in_dim3A {offsets = [0, 128], sizes = [1, 128], strides = [1, 1]} : vector<1x256xf32> to vector<1x128xf32>
    %iota3A = tpu.iota {dimensions = array<i32: 1>} : vector<128x128xi32>
    %get3A_10 = arith.constant 0 : index
    %get3A_11 = arith.constant 0 : index
    %get3A_12 = vector.load %arg1[%get3A_10, %get3A_11] : memref<768x128xi32, #tpu.memory_space<vmem>>, vector<128x128xi32>
    %eq3A = arith.cmpi eq, %get3A_12, %iota3A : vector<128x128xi32>
    %convert_element_type3A = arith.extui %eq3A : vector<128x128xi1> to vector<128x128xi32>
    %convert_element_type3A_13 = arith.sitofp %convert_element_type3A : vector<128x128xi32> to vector<128x128xf32>
    %dot_general3A = arith.constant dense<0.000000e+00> : vector<128x128xf32>
    %dot_general3A_14 = tpu.matmul %convert_element_type3A_13, %get3A_1, %dot_general3A {dimension_numbers = #tpu.dot_dimension_numbers<[1], [0], [0], [1], [0, 0, 1, 1], [], []>, transpose_lhs_hint = false} : vector<128x128xf32>, vector<128x128xf32>, vector<128x128xf32> -> vector<128x128xf32>
    %ne3A = arith.constant 0.000000e+00 : f32
    %ne3A_15 = vector.broadcast %ne3A : f32 to vector<128x128xf32>
    %ne3A_16 = arith.cmpf one, %dot_general3A_14, %ne3A_15 : vector<128x128xf32>
    %jit3A = arith.constant 0.000000e+00 : f32
    %broadcast_in_dim3A_17 = vector.broadcast %jit3A : f32 to vector<128x128xf32>
    %select_n3A = arith.select %ne3A_16, %get3A_1, %broadcast_in_dim3A_17 : vector<128x128xi1>, vector<128x128xf32>
    %mul3A_18 = vector.broadcast %slice3A : vector<1x128xf32> to vector<128x128xf32>
    %mul3A_19 = arith.mulf %select_n3A, %mul3A_18 : vector<128x128xf32>
    %mul3A_20 = vector.broadcast %slice3A_9 : vector<1x128xf32> to vector<128x128xf32>
    %mul3A_21 = arith.mulf %dot_general3A_14, %mul3A_20 : vector<128x128xf32>
    %add3A = arith.addf %mul3A_19, %mul3A_21 : vector<128x128xf32>
    %reduce_sum3A_22 = arith.constant dense<0.000000e+00> : vector<128xf32>
    %reduce_sum3A_23 = vector.multi_reduction <add>, %add3A, %reduce_sum3A_22 [1] : vector<128x128xf32> to vector<128xf32>
    %broadcast_in_dim3A_24 = vector.shape_cast %reduce_sum3A_23 : vector<128xf32> to vector<128x1xf32>
    %reduce_sum3A_25 = arith.constant dense<0.000000e+00> : vector<128xf32>
    %reduce_sum3A_26 = vector.multi_reduction <add>, %dot_general3A_14, %reduce_sum3A_25 [1] : vector<128x128xf32> to vector<128xf32>
    %broadcast_in_dim3A_27 = vector.shape_cast %reduce_sum3A_26 : vector<128xf32> to vector<128x1xf32>
    %eq3A_28 = arith.constant 0.000000e+00 : f32
    %eq3A_29 = vector.broadcast %eq3A_28 : f32 to vector<128x1xf32>
    %eq3A_30 = arith.cmpf oeq, %broadcast_in_dim3A_27, %eq3A_29 : vector<128x1xf32>
    %jit3A_31 = arith.constant -1.000000e+10 : f32
    %broadcast_in_dim3A_32 = vector.broadcast %jit3A_31 : f32 to vector<128x1xf32>
    %select_n3A_33 = arith.select %eq3A_30, %broadcast_in_dim3A_32, %broadcast_in_dim3A_24 : vector<128x1xi1>, vector<128x1xf32>
    %get3A_34 = arith.constant 128 : index
    %get3A_35 = arith.constant 0 : index
    %get3A_36 = vector.load %arg1[%get3A_34, %get3A_35] : memref<768x128xi32, #tpu.memory_space<vmem>>, vector<128x128xi32>
    %eq3A_37 = arith.cmpi eq, %get3A_36, %iota3A : vector<128x128xi32>
    %convert_element_type3A_38 = arith.extui %eq3A_37 : vector<128x128xi1> to vector<128x128xi32>
    %convert_element_type3A_39 = arith.sitofp %convert_element_type3A_38 : vector<128x128xi32> to vector<128x128xf32>
    %dot_general3A_40 = arith.constant dense<0.000000e+00> : vector<128x128xf32>
    %dot_general3A_41 = tpu.matmul %convert_element_type3A_39, %get3A_1, %dot_general3A_40 {dimension_numbers = #tpu.dot_dimension_numbers<[1], [0], [0], [1], [0, 0, 1, 1], [], []>, transpose_lhs_hint = false} : vector<128x128xf32>, vector<128x128xf32>, vector<128x128xf32> -> vector<128x128xf32>
    %ne3A_42 = arith.constant 0.000000e+00 : f32
    %ne3A_43 = vector.broadcast %ne3A_42 : f32 to vector<128x128xf32>
    %ne3A_44 = arith.cmpf one, %dot_general3A_41, %ne3A_43 : vector<128x128xf32>
    %jit3A_45 = arith.constant 0.000000e+00 : f32
    %broadcast_in_dim3A_46 = vector.broadcast %jit3A_45 : f32 to vector<128x128xf32>
    %select_n3A_47 = arith.select %ne3A_44, %get3A_1, %broadcast_in_dim3A_46 : vector<128x128xi1>, vector<128x128xf32>
    %mul3A_48 = vector.broadcast %slice3A : vector<1x128xf32> to vector<128x128xf32>
    %mul3A_49 = arith.mulf %select_n3A_47, %mul3A_48 : vector<128x128xf32>
    %mul3A_50 = vector.broadcast %slice3A_9 : vector<1x128xf32> to vector<128x128xf32>
    %mul3A_51 = arith.mulf %dot_general3A_41, %mul3A_50 : vector<128x128xf32>
    %add3A_52 = arith.addf %mul3A_49, %mul3A_51 : vector<128x128xf32>
    %reduce_sum3A_53 = arith.constant dense<0.000000e+00> : vector<128xf32>
    %reduce_sum3A_54 = vector.multi_reduction <add>, %add3A_52, %reduce_sum3A_53 [1] : vector<128x128xf32> to vector<128xf32>
    %broadcast_in_dim3A_55 = vector.shape_cast %reduce_sum3A_54 : vector<128xf32> to vector<128x1xf32>
    %reduce_sum3A_56 = arith.constant dense<0.000000e+00> : vector<128xf32>
    %reduce_sum3A_57 = vector.multi_reduction <add>, %dot_general3A_41, %reduce_sum3A_56 [1] : vector<128x128xf32> to vector<128xf32>
    %broadcast_in_dim3A_58 = vector.shape_cast %reduce_sum3A_57 : vector<128xf32> to vector<128x1xf32>
    %eq3A_59 = arith.constant 0.000000e+00 : f32
    %eq3A_60 = vector.broadcast %eq3A_59 : f32 to vector<128x1xf32>
    %eq3A_61 = arith.cmpf oeq, %broadcast_in_dim3A_58, %eq3A_60 : vector<128x1xf32>
    %jit3A_62 = arith.constant -1.000000e+10 : f32
    %broadcast_in_dim3A_63 = vector.broadcast %jit3A_62 : f32 to vector<128x1xf32>
    %select_n3A_64 = arith.select %eq3A_61, %broadcast_in_dim3A_63, %broadcast_in_dim3A_55 : vector<128x1xi1>, vector<128x1xf32>
    %get3A_65 = arith.constant 256 : index
    %get3A_66 = arith.constant 0 : index
    %get3A_67 = vector.load %arg1[%get3A_65, %get3A_66] : memref<768x128xi32, #tpu.memory_space<vmem>>, vector<128x128xi32>
    %eq3A_68 = arith.cmpi eq, %get3A_67, %iota3A : vector<128x128xi32>
    %convert_element_type3A_69 = arith.extui %eq3A_68 : vector<128x128xi1> to vector<128x128xi32>
    %convert_element_type3A_70 = arith.sitofp %convert_element_type3A_69 : vector<128x128xi32> to vector<128x128xf32>
    %dot_general3A_71 = arith.constant dense<0.000000e+00> : vector<128x128xf32>
    %dot_general3A_72 = tpu.matmul %convert_element_type3A_70, %get3A_1, %dot_general3A_71 {dimension_numbers = #tpu.dot_dimension_numbers<[1], [0], [0], [1], [0, 0, 1, 1], [], []>, transpose_lhs_hint = false} : vector<128x128xf32>, vector<128x128xf32>, vector<128x128xf32> -> vector<128x128xf32>
    %ne3A_73 = arith.constant 0.000000e+00 : f32
    %ne3A_74 = vector.broadcast %ne3A_73 : f32 to vector<128x128xf32>
    %ne3A_75 = arith.cmpf one, %dot_general3A_72, %ne3A_74 : vector<128x128xf32>
    %jit3A_76 = arith.constant 0.000000e+00 : f32
    %broadcast_in_dim3A_77 = vector.broadcast %jit3A_76 : f32 to vector<128x128xf32>
    %select_n3A_78 = arith.select %ne3A_75, %get3A_1, %broadcast_in_dim3A_77 : vector<128x128xi1>, vector<128x128xf32>
    %mul3A_79 = vector.broadcast %slice3A : vector<1x128xf32> to vector<128x128xf32>
    %mul3A_80 = arith.mulf %select_n3A_78, %mul3A_79 : vector<128x128xf32>
    %mul3A_81 = vector.broadcast %slice3A_9 : vector<1x128xf32> to vector<128x128xf32>
    %mul3A_82 = arith.mulf %dot_general3A_72, %mul3A_81 : vector<128x128xf32>
    %add3A_83 = arith.addf %mul3A_80, %mul3A_82 : vector<128x128xf32>
    %reduce_sum3A_84 = arith.constant dense<0.000000e+00> : vector<128xf32>
    %reduce_sum3A_85 = vector.multi_reduction <add>, %add3A_83, %reduce_sum3A_84 [1] : vector<128x128xf32> to vector<128xf32>
    %broadcast_in_dim3A_86 = vector.shape_cast %reduce_sum3A_85 : vector<128xf32> to vector<128x1xf32>
    %reduce_sum3A_87 = arith.constant dense<0.000000e+00> : vector<128xf32>
    %reduce_sum3A_88 = vector.multi_reduction <add>, %dot_general3A_72, %reduce_sum3A_87 [1] : vector<128x128xf32> to vector<128xf32>
    %broadcast_in_dim3A_89 = vector.shape_cast %reduce_sum3A_88 : vector<128xf32> to vector<128x1xf32>
    %eq3A_90 = arith.constant 0.000000e+00 : f32
    %eq3A_91 = vector.broadcast %eq3A_90 : f32 to vector<128x1xf32>
    %eq3A_92 = arith.cmpf oeq, %broadcast_in_dim3A_89, %eq3A_91 : vector<128x1xf32>
    %jit3A_93 = arith.constant -1.000000e+10 : f32
    %broadcast_in_dim3A_94 = vector.broadcast %jit3A_93 : f32 to vector<128x1xf32>
    %select_n3A_95 = arith.select %eq3A_92, %broadcast_in_dim3A_94, %broadcast_in_dim3A_86 : vector<128x1xi1>, vector<128x1xf32>
    %get3A_96 = arith.constant 384 : index
    %get3A_97 = arith.constant 0 : index
    %get3A_98 = vector.load %arg1[%get3A_96, %get3A_97] : memref<768x128xi32, #tpu.memory_space<vmem>>, vector<128x128xi32>
    %eq3A_99 = arith.cmpi eq, %get3A_98, %iota3A : vector<128x128xi32>
    %convert_element_type3A_100 = arith.extui %eq3A_99 : vector<128x128xi1> to vector<128x128xi32>
    %convert_element_type3A_101 = arith.sitofp %convert_element_type3A_100 : vector<128x128xi32> to vector<128x128xf32>
    %dot_general3A_102 = arith.constant dense<0.000000e+00> : vector<128x128xf32>
    %dot_general3A_103 = tpu.matmul %convert_element_type3A_101, %get3A_1, %dot_general3A_102 {dimension_numbers = #tpu.dot_dimension_numbers<[1], [0], [0], [1], [0, 0, 1, 1], [], []>, transpose_lhs_hint = false} : vector<128x128xf32>, vector<128x128xf32>, vector<128x128xf32> -> vector<128x128xf32>
    %ne3A_104 = arith.constant 0.000000e+00 : f32
    %ne3A_105 = vector.broadcast %ne3A_104 : f32 to vector<128x128xf32>
    %ne3A_106 = arith.cmpf one, %dot_general3A_103, %ne3A_105 : vector<128x128xf32>
    %jit3A_107 = arith.constant 0.000000e+00 : f32
    %broadcast_in_dim3A_108 = vector.broadcast %jit3A_107 : f32 to vector<128x128xf32>
    %select_n3A_109 = arith.select %ne3A_106, %get3A_1, %broadcast_in_dim3A_108 : vector<128x128xi1>, vector<128x128xf32>
    %mul3A_110 = vector.broadcast %slice3A : vector<1x128xf32> to vector<128x128xf32>
    %mul3A_111 = arith.mulf %select_n3A_109, %mul3A_110 : vector<128x128xf32>
    %mul3A_112 = vector.broadcast %slice3A_9 : vector<1x128xf32> to vector<128x128xf32>
    %mul3A_113 = arith.mulf %dot_general3A_103, %mul3A_112 : vector<128x128xf32>
    %add3A_114 = arith.addf %mul3A_111, %mul3A_113 : vector<128x128xf32>
    %reduce_sum3A_115 = arith.constant dense<0.000000e+00> : vector<128xf32>
    %reduce_sum3A_116 = vector.multi_reduction <add>, %add3A_114, %reduce_sum3A_115 [1] : vector<128x128xf32> to vector<128xf32>
    %broadcast_in_dim3A_117 = vector.shape_cast %reduce_sum3A_116 : vector<128xf32> to vector<128x1xf32>
    %reduce_sum3A_118 = arith.constant dense<0.000000e+00> : vector<128xf32>
    %reduce_sum3A_119 = vector.multi_reduction <add>, %dot_general3A_103, %reduce_sum3A_118 [1] : vector<128x128xf32> to vector<128xf32>
    %broadcast_in_dim3A_120 = vector.shape_cast %reduce_sum3A_119 : vector<128xf32> to vector<128x1xf32>
    %eq3A_121 = arith.constant 0.000000e+00 : f32
    %eq3A_122 = vector.broadcast %eq3A_121 : f32 to vector<128x1xf32>
    %eq3A_123 = arith.cmpf oeq, %broadcast_in_dim3A_120, %eq3A_122 : vector<128x1xf32>
    %jit3A_124 = arith.constant -1.000000e+10 : f32
    %broadcast_in_dim3A_125 = vector.broadcast %jit3A_124 : f32 to vector<128x1xf32>
    %select_n3A_126 = arith.select %eq3A_123, %broadcast_in_dim3A_125, %broadcast_in_dim3A_117 : vector<128x1xi1>, vector<128x1xf32>
    %get3A_127 = arith.constant 512 : index
    %get3A_128 = arith.constant 0 : index
    %get3A_129 = vector.load %arg1[%get3A_127, %get3A_128] : memref<768x128xi32, #tpu.memory_space<vmem>>, vector<128x128xi32>
    %eq3A_130 = arith.cmpi eq, %get3A_129, %iota3A : vector<128x128xi32>
    %convert_element_type3A_131 = arith.extui %eq3A_130 : vector<128x128xi1> to vector<128x128xi32>
    %convert_element_type3A_132 = arith.sitofp %convert_element_type3A_131 : vector<128x128xi32> to vector<128x128xf32>
    %dot_general3A_133 = arith.constant dense<0.000000e+00> : vector<128x128xf32>
    %dot_general3A_134 = tpu.matmul %convert_element_type3A_132, %get3A_1, %dot_general3A_133 {dimension_numbers = #tpu.dot_dimension_numbers<[1], [0], [0], [1], [0, 0, 1, 1], [], []>, transpose_lhs_hint = false} : vector<128x128xf32>, vector<128x128xf32>, vector<128x128xf32> -> vector<128x128xf32>
    %ne3A_135 = arith.constant 0.000000e+00 : f32
    %ne3A_136 = vector.broadcast %ne3A_135 : f32 to vector<128x128xf32>
    %ne3A_137 = arith.cmpf one, %dot_general3A_134, %ne3A_136 : vector<128x128xf32>
    %jit3A_138 = arith.constant 0.000000e+00 : f32
    %broadcast_in_dim3A_139 = vector.broadcast %jit3A_138 : f32 to vector<128x128xf32>
    %select_n3A_140 = arith.select %ne3A_137, %get3A_1, %broadcast_in_dim3A_139 : vector<128x128xi1>, vector<128x128xf32>
    %mul3A_141 = vector.broadcast %slice3A : vector<1x128xf32> to vector<128x128xf32>
    %mul3A_142 = arith.mulf %select_n3A_140, %mul3A_141 : vector<128x128xf32>
    %mul3A_143 = vector.broadcast %slice3A_9 : vector<1x128xf32> to vector<128x128xf32>
    %mul3A_144 = arith.mulf %dot_general3A_134, %mul3A_143 : vector<128x128xf32>
    %add3A_145 = arith.addf %mul3A_142, %mul3A_144 : vector<128x128xf32>
    %reduce_sum3A_146 = arith.constant dense<0.000000e+00> : vector<128xf32>
    %reduce_sum3A_147 = vector.multi_reduction <add>, %add3A_145, %reduce_sum3A_146 [1] : vector<128x128xf32> to vector<128xf32>
    %broadcast_in_dim3A_148 = vector.shape_cast %reduce_sum3A_147 : vector<128xf32> to vector<128x1xf32>
    %reduce_sum3A_149 = arith.constant dense<0.000000e+00> : vector<128xf32>
    %reduce_sum3A_150 = vector.multi_reduction <add>, %dot_general3A_134, %reduce_sum3A_149 [1] : vector<128x128xf32> to vector<128xf32>
    %broadcast_in_dim3A_151 = vector.shape_cast %reduce_sum3A_150 : vector<128xf32> to vector<128x1xf32>
    %eq3A_152 = arith.constant 0.000000e+00 : f32
    %eq3A_153 = vector.broadcast %eq3A_152 : f32 to vector<128x1xf32>
    %eq3A_154 = arith.cmpf oeq, %broadcast_in_dim3A_151, %eq3A_153 : vector<128x1xf32>
    %jit3A_155 = arith.constant -1.000000e+10 : f32
    %broadcast_in_dim3A_156 = vector.broadcast %jit3A_155 : f32 to vector<128x1xf32>
    %select_n3A_157 = arith.select %eq3A_154, %broadcast_in_dim3A_156, %broadcast_in_dim3A_148 : vector<128x1xi1>, vector<128x1xf32>
    %get3A_158 = arith.constant 640 : index
    %get3A_159 = arith.constant 0 : index
    %get3A_160 = vector.load %arg1[%get3A_158, %get3A_159] : memref<768x128xi32, #tpu.memory_space<vmem>>, vector<128x128xi32>
    %eq3A_161 = arith.cmpi eq, %get3A_160, %iota3A : vector<128x128xi32>
    %convert_element_type3A_162 = arith.extui %eq3A_161 : vector<128x128xi1> to vector<128x128xi32>
    %convert_element_type3A_163 = arith.sitofp %convert_element_type3A_162 : vector<128x128xi32> to vector<128x128xf32>
    %dot_general3A_164 = arith.constant dense<0.000000e+00> : vector<128x128xf32>
    %dot_general3A_165 = tpu.matmul %convert_element_type3A_163, %get3A_1, %dot_general3A_164 {dimension_numbers = #tpu.dot_dimension_numbers<[1], [0], [0], [1], [0, 0, 1, 1], [], []>, transpose_lhs_hint = false} : vector<128x128xf32>, vector<128x128xf32>, vector<128x128xf32> -> vector<128x128xf32>
    %ne3A_166 = arith.constant 0.000000e+00 : f32
    %ne3A_167 = vector.broadcast %ne3A_166 : f32 to vector<128x128xf32>
    %ne3A_168 = arith.cmpf one, %dot_general3A_165, %ne3A_167 : vector<128x128xf32>
    %jit3A_169 = arith.constant 0.000000e+00 : f32
    %broadcast_in_dim3A_170 = vector.broadcast %jit3A_169 : f32 to vector<128x128xf32>
    %select_n3A_171 = arith.select %ne3A_168, %get3A_1, %broadcast_in_dim3A_170 : vector<128x128xi1>, vector<128x128xf32>
    %mul3A_172 = vector.broadcast %slice3A : vector<1x128xf32> to vector<128x128xf32>
    %mul3A_173 = arith.mulf %select_n3A_171, %mul3A_172 : vector<128x128xf32>
    %mul3A_174 = vector.broadcast %slice3A_9 : vector<1x128xf32> to vector<128x128xf32>
    %mul3A_175 = arith.mulf %dot_general3A_165, %mul3A_174 : vector<128x128xf32>
    %add3A_176 = arith.addf %mul3A_173, %mul3A_175 : vector<128x128xf32>
    %reduce_sum3A_177 = arith.constant dense<0.000000e+00> : vector<128xf32>
    %reduce_sum3A_178 = vector.multi_reduction <add>, %add3A_176, %reduce_sum3A_177 [1] : vector<128x128xf32> to vector<128xf32>
    %broadcast_in_dim3A_179 = vector.shape_cast %reduce_sum3A_178 : vector<128xf32> to vector<128x1xf32>
    %reduce_sum3A_180 = arith.constant dense<0.000000e+00> : vector<128xf32>
    %reduce_sum3A_181 = vector.multi_reduction <add>, %dot_general3A_165, %reduce_sum3A_180 [1] : vector<128x128xf32> to vector<128xf32>
    %broadcast_in_dim3A_182 = vector.shape_cast %reduce_sum3A_181 : vector<128xf32> to vector<128x1xf32>
    %eq3A_183 = arith.constant 0.000000e+00 : f32
    %eq3A_184 = vector.broadcast %eq3A_183 : f32 to vector<128x1xf32>
    %eq3A_185 = arith.cmpf oeq, %broadcast_in_dim3A_182, %eq3A_184 : vector<128x1xf32>
    %jit3A_186 = arith.constant -1.000000e+10 : f32
    %broadcast_in_dim3A_187 = vector.broadcast %jit3A_186 : f32 to vector<128x1xf32>
    %select_n3A_188 = arith.select %eq3A_185, %broadcast_in_dim3A_187, %broadcast_in_dim3A_179 : vector<128x1xi1>, vector<128x1xf32>
    %max3A = arith.maximumf %select_n3A_33, %select_n3A_64 : vector<128x1xf32>
    %max3A_189 = arith.maximumf %max3A, %select_n3A_95 : vector<128x1xf32>
    %max3A_190 = arith.maximumf %max3A_189, %select_n3A_126 : vector<128x1xf32>
    %max3A_191 = arith.maximumf %max3A_190, %select_n3A_157 : vector<128x1xf32>
    %max3A_192 = arith.maximumf %max3A_191, %select_n3A_188 : vector<128x1xf32>
    %sub3A = arith.subf %select_n3A_33, %max3A_192 : vector<128x1xf32>
    %exp3A = math.exp %sub3A : vector<128x1xf32>
    %sub3A_193 = arith.subf %select_n3A_64, %max3A_192 : vector<128x1xf32>
    %exp3A_194 = math.exp %sub3A_193 : vector<128x1xf32>
    %sub3A_195 = arith.subf %select_n3A_95, %max3A_192 : vector<128x1xf32>
    %exp3A_196 = math.exp %sub3A_195 : vector<128x1xf32>
    %sub3A_197 = arith.subf %select_n3A_126, %max3A_192 : vector<128x1xf32>
    %exp3A_198 = math.exp %sub3A_197 : vector<128x1xf32>
    %sub3A_199 = arith.subf %select_n3A_157, %max3A_192 : vector<128x1xf32>
    %exp3A_200 = math.exp %sub3A_199 : vector<128x1xf32>
    %sub3A_201 = arith.subf %select_n3A_188, %max3A_192 : vector<128x1xf32>
    %exp3A_202 = math.exp %sub3A_201 : vector<128x1xf32>
    %add3A_203 = arith.addf %exp3A, %exp3A_194 : vector<128x1xf32>
    %add3A_204 = arith.addf %add3A_203, %exp3A_196 : vector<128x1xf32>
    %add3A_205 = arith.addf %add3A_204, %exp3A_198 : vector<128x1xf32>
    %add3A_206 = arith.addf %add3A_205, %exp3A_200 : vector<128x1xf32>
    %add3A_207 = arith.addf %add3A_206, %exp3A_202 : vector<128x1xf32>
    %div3A = arith.divf %exp3A, %add3A_207 : vector<128x1xf32>
    %mul3A_208 = vector.broadcast %div3A : vector<128x1xf32> to vector<128x128xf32>
    %mul3A_209 = arith.mulf %mul3A_208, %dot_general3A_14 : vector<128x128xf32>
    %div3A_210 = arith.divf %exp3A_194, %add3A_207 : vector<128x1xf32>
    %mul3A_211 = vector.broadcast %div3A_210 : vector<128x1xf32> to vector<128x128xf32>
    %mul3A_212 = arith.mulf %mul3A_211, %dot_general3A_41 : vector<128x128xf32>
    %add3A_213 = arith.addf %mul3A_209, %mul3A_212 : vector<128x128xf32>
    %div3A_214 = arith.divf %exp3A_196, %add3A_207 : vector<128x1xf32>
    %mul3A_215 = vector.broadcast %div3A_214 : vector<128x1xf32> to vector<128x128xf32>
    %mul3A_216 = arith.mulf %mul3A_215, %dot_general3A_72 : vector<128x128xf32>
    %add3A_217 = arith.addf %add3A_213, %mul3A_216 : vector<128x128xf32>
    %div3A_218 = arith.divf %exp3A_198, %add3A_207 : vector<128x1xf32>
    %mul3A_219 = vector.broadcast %div3A_218 : vector<128x1xf32> to vector<128x128xf32>
    %mul3A_220 = arith.mulf %mul3A_219, %dot_general3A_103 : vector<128x128xf32>
    %add3A_221 = arith.addf %add3A_217, %mul3A_220 : vector<128x128xf32>
    %div3A_222 = arith.divf %exp3A_200, %add3A_207 : vector<128x1xf32>
    %mul3A_223 = vector.broadcast %div3A_222 : vector<128x1xf32> to vector<128x128xf32>
    %mul3A_224 = arith.mulf %mul3A_223, %dot_general3A_134 : vector<128x128xf32>
    %add3A_225 = arith.addf %add3A_221, %mul3A_224 : vector<128x128xf32>
    %div3A_226 = arith.divf %exp3A_202, %add3A_207 : vector<128x1xf32>
    %mul3A_227 = vector.broadcast %div3A_226 : vector<128x1xf32> to vector<128x128xf32>
    %mul3A_228 = arith.mulf %mul3A_227, %dot_general3A_165 : vector<128x128xf32>
    %add3A_229 = arith.addf %add3A_225, %mul3A_228 : vector<128x128xf32>
    %swap3A = arith.constant 0 : index
    %swap3A_230 = arith.constant 0 : index
    %swap3A_231 = vector.load %arg4[%swap3A, %swap3A_230] : memref<128x128xf32, #tpu.memory_space<vmem>>, vector<128x128xf32>
    tpu.vector_store %arg4[%swap3A, %swap3A_230], %add3A_229 {strides = array<i32>} : memref<128x128xf32, #tpu.memory_space<vmem>>, vector<128x128xf32>,
    return
  }
}

</mosaic_0001>

<sc_bundles>
// kernel: kernel.4.cloned.1.call-start
scs
__scs_entry_jumppad:
0x0: {  	(pc) =	sbr.rel $0x88, $3  }
0x1: {  	(tag) =	ssettag $0x0;
	lr =	simm.s32 $0x1  }
0x2: {  	[smem:$0x3F9C] =	sst lr;
	_ =	strace $0xD0000000  }
0x3: {  	_ = 	snop  }
0x4: {  	_ = 	snop  }
0x5: {  	_ = 	snop  }
0x6: {  	_ = 	snop  }
0x7: {  	_ = 	snop  }
__scs_overlays_trampoline_lowered:
0x8: {  	[smem:$0x3FAB] =	sst s0  }
0x9: {  	[smem:$0x3FAC] =	sst s1  }
0xa: {  	[smem:$0x3FAD] =	sst s2  }
0xb: {  	[smem:$0x3FAE] =	sst s3  }
0xc: {  	[smem:$0x3FAF] =	sst s4  }
0xd: {  	[smem:$0x3FB0] =	sst s5  }
0xe: {  	[smem:$0x3FB1] =	sst s6  }
0xf: {  	[smem:$0x3FB2] =	sst s7  }
0x10: {  	[smem:$0x3FB3] =	sst s8  }
0x11: {  	[smem:$0x3FB4] =	sst s9;
	s0 =	simm.s32 @!p0 $0x0  }
0x12: {  	s1 =	sld [smem:$0x3F9A];
	s0 =	simm.s32 @p0 $0x1  }
0x13: {  	[smem:$0x3FB5] =	sst s0;
	s0 =	simm.s32 @!p1 $0x0  }
0x14: {  	s2 =	sld [smem:$0x3F99];
	s0 =	simm.s32 @p1 $0x1  }
0x15: {  	[smem:$0x3FB6] =	sst s0;
	s0 =	simm.s32 @!p2 $0x0  }
0x16: {  	s3 =	sld [smem:$0x3FDB];
	s0 =	simm.s32 @p2 $0x1  }
0x17: {  	s4 =	simm.s32 $0x1BF5;
	[smem:$0x3FB8] =	sst s0  }
0x18: {  	s0 =	sld [smem:$0x3F9B];
	_ =	swait.ge [sflag:s4], $0x0  }
0x19: {  	s7 =	sld [smem:$0x3F9C]  }
0x1a: {  	s8 =	sadd.s32 $0xFFFFE003, lr  }
0x1b: {  	s9 =	sadd.s32 $0xFFFFFEF7, lr;
	s5 =	simm.s32 $0xFFFFFFFF;
	p2 =	slt.u32 s8, $0xFFFFF086  }
0x1c: {  	p1 =	slt.u32 s9, $0xF7A;
	s5 =	simm.s32 @!p2 $0x0  }
0x1d: {  	s5 =	simm.s32 @p1 $0x1;
	p0 =	seq.s32 s7, s2  }
0x1e: {  	s7 =	smul.u32 @!p0 $0xF7A, s2;
	p2 =	seq.s32 @!p0 s5, $0x0  }
0x1f: {  	s9 =	smul.u32 $0xF7A, s1;
	s8 =	simm.s32 @!p0 $0x1BF5;
	p2 =	por !p2, p0  }
0x20: {  	[sflag:s8] =	ssyncset.s32 @!p0 $0xFFFFF086;
	s6 =	sadd.s32 @!p0 s3, s7;
	s7 =	simm.s32 @!p0 $0x108  }
0x21: {  	s3 =	sadd.s32 s3, s9;
	s6 =	sadd.s32 @!p0 $0x88, s6;
	s7 =	simm.s32 @p2 $0x1082  }
0x22: {  	[simem:s7], [sflag:s8] =	dma.local @!p0 [hbm:s6], $0xF7A  }
0x23: {  	s9 =	sor.u32 $0xD0000000, s2;
	s6 =	simm.s32 $0x108;
	_ =	swait.ge @!p0 [sflag:s8], $0x0  }
0x24: {  	s3 =	sadd.s32 $0x88, s3;
	s6 =	simm.s32 @!p1 $0x1082;
	[sflag:s4] =	ssyncset.s32 $0xFFFFF086  }
0x25: {  	[simem:s6], [sflag:s4] =	dma.local [hbm:s3], $0xF7A  }
0x26: {  	[smem:$0x3F9C] =	sst s1;
	(tag) =	ssettag s2;
	_ =	strace s9  }
0x27: {  	s1 =	sld [smem:$0x3FAC]  }
0x28: {  	s2 =	sld [smem:$0x3FAD]  }
0x29: {  	s4 =	sld [smem:$0x3FAF]  }
0x2a: {  	p0 =	seq.s32 s5, $0x0;
	s5 =	sld [smem:$0x3FB0]  }
0x2b: {  	s6 =	sld [smem:$0x3FB1]  }
0x2c: {  	s7 =	sld [smem:$0x3FB2]  }
0x2d: {  	s3 =	simm.s32 $0x108;
	s8 =	sld [smem:$0x3FB3]  }
0x2e: {  	s3 =	simm.s32 @!p0 $0x1082;
	s9 =	sld [smem:$0x3FB4]  }
0x2f: {  	lr =	sadd.s32 s0, s3;
	s0 =	sld [smem:$0x3FAB]  }
0x30: {  	s3 =	sld [smem:$0x3FAE]  }
0x31: {  	[smem:$0x3FB7] =	sst s10  }
0x32: {  	s10 =	sld [smem:$0x3FB5];
	_ =	sdelay $0x3  }
0x33: {  	p0 =	seq.s32 s10, $0x1;
	s10 =	sld [smem:$0x3FB7];
	_ =	sdelay $0x3  }
0x34: {  	[smem:$0x3FB7] =	sst s10  }
0x35: {  	s10 =	sld [smem:$0x3FB6];
	_ =	sdelay $0x3  }
0x36: {  	p1 =	seq.s32 s10, $0x1;
	s10 =	sld [smem:$0x3FB7];
	_ =	sdelay $0x3  }
0x37: {  	[smem:$0x3FB7] =	sst s10  }
0x38: {  	s10 =	sld [smem:$0x3FB8]  }
0x39: {  	_ = 	snop;
	(pc) =	sbr.ind lr, $3  }
0x3a: {  	_ = 	snop  }
0x3b: {  	_ = 	snop  }
0x3c: {  	p2 =	seq.s32 s10, $0x1;
	s10 =	sld [smem:$0x3FB7]  }
0x3d: {  	_ =	shalt  }
0x3e: {  	_ =	shalt  }
0x3f: {  	_ =	shalt  }
0x40: {  	_ =	shalt  }
0x41: {  	_ =	shalt  }
0x42: {  	_ =	shalt  }
0x43: {  	_ =	shalt  }
0x44: {  	_ =	shalt  }
0x45: {  	_ =	shalt  }
0x46: {  	_ =	shalt  }
0x47: {  	_ =	shalt  }
0x48: {  	_ =	shalt  }
0x49: {  	_ =	shalt  }
0x4a: {  	_ =	shalt  }
0x4b: {  	_ =	shalt  }
0x4c: {  	_ =	shalt  }
0x4d: {  	_ =	shalt  }
0x4e: {  	_ =	shalt  }
0x4f: {  	_ =	shalt  }
0x50: {  	_ =	shalt  }
0x51: {  	_ =	shalt  }
0x52: {  	_ =	shalt  }
0x53: {  	_ =	shalt  }
0x54: {  	_ =	shalt  }
0x55: {  	_ =	shalt  }
0x56: {  	_ =	shalt  }
0x57: {  	_ =	shalt  }
0x58: {  	_ =	shalt  }
0x59: {  	_ =	shalt  }
0x5a: {  	_ =	shalt  }
0x5b: {  	_ =	shalt  }
0x5c: {  	_ =	shalt  }
0x5d: {  	_ =	shalt  }
0x5e: {  	_ =	shalt  }
0x5f: {  	_ =	shalt  }
0x60: {  	_ =	shalt  }
0x61: {  	_ =	shalt  }
0x62: {  	_ =	shalt  }
0x63: {  	_ =	shalt  }
0x64: {  	_ =	shalt  }
0x65: {  	_ =	shalt  }
0x66: {  	_ =	shalt  }
0x67: {  	_ =	shalt  }
0x68: {  	_ =	shalt  }
0x69: {  	_ =	shalt  }
0x6a: {  	_ =	shalt  }
0x6b: {  	_ =	shalt  }
0x6c: {  	_ =	shalt  }
0x6d: {  	_ =	shalt  }
0x6e: {  	_ =	shalt  }
0x6f: {  	_ =	shalt  }
0x70: {  	_ =	shalt  }
0x71: {  	_ =	shalt  }
0x72: {  	_ =	shalt  }
0x73: {  	_ =	shalt  }
0x74: {  	_ =	shalt  }
0x75: {  	_ =	shalt  }
0x76: {  	_ =	shalt  }
0x77: {  	_ =	shalt  }
0x78: {  	_ =	shalt  }
0x79: {  	_ =	shalt  }
0x7a: {  	_ =	shalt  }
0x7b: {  	_ =	shalt  }
0x7c: {  	_ =	shalt  }
0x7d: {  	_ =	shalt  }
0x7e: {  	_ =	shalt  }
0x7f: {  	_ =	shalt  }
0x80: {  	_ =	shalt  }
0x81: {  	_ =	shalt  }
0x82: {  	_ =	shalt  }
0x83: {  	_ =	shalt  }
0x84: {  	_ =	shalt  }
0x85: {  	_ =	shalt  }
0x86: {  	_ =	shalt  }
0x87: {  	_ =	shalt  }
.Lfunc_end0:
.L_simem_size_0:
called_computation_lowered:
.L_overlay_start_0:
0x88: {  	s2 =	sld [smem:$0x3FD9]  }
0x89: {  	s3 =	sld [smem:$0x3FFE];
	_ =	sdelay $0x1  }
0x8a: {  	s1 =	srdreg.scid  }
0x8b: {  	s0 =	sand.u32 $0x1, s1  }
0x8c: {  	s17 =	sshll.u32 s0, $0xA;
	s2 =	sadd.s32 s3, s2  }
0x8d: {  	s2 =	sadd.s32 s2, s17  }
0x8e: {  	[smem:$0x3FC3] =	sst s2  }
0x8f: {  	_ = 	snop  }
0x90: {  	s2 =	sld [smem:$0x3FD0];
	(tm) =	ssettm $0x1  }
0x91: {  	s18 =	sld [smem:$0x3FFB];
	_ =	sdelay $0x3  }
0x92: {  	_ =	strace s18  }
0x93: {  	s3 =	sld [smem:$0x3FFC];
	_ =	sdelay $0x3  }
0x94: {  	_ =	strace s3  }
0x95: {  	s3 =	sld [smem:$0x3FFD];
	_ =	sdelay $0x3  }
0x96: {  	_ =	strace s3  }
0x97: {  	_ =	strace $0x8FFFFFFF  }
0x98: {  	s19 =	sld [smem:$0x3FDB];
	_ =	sdelay $0x1  }
0x99: {  	s4 =	simm.s32 $_scs_section_size  }
0x9a: {  	s5 =	simm.s32 $_size__tile_overlayer_lowered;
	s6 =	simm.s32 $_tile_overlayer_lowered  }
0x9b: {  	s22 =	simm.s32 $0x1BFF;
	s21 =	sshll.u32 s6, $0x1;
	s3 =	sadd.s32 s4, s19  }
0x9c: {  	s7 =	simm.s32 $0x0;
	s20 =	sshll.u32 s5, $0x1;
	s5 =	sadd.s32 s21, s3  }
0x9d: {  	[timem:s7], [sflag:s22] =	dma.local [hbm:s5], s20  }
0x9e: {  	_ =	swait.ge [sflag:s22], s20  }
0x9f: {  	s4 =	ssub.s32 $0x0, s20;
	[sflag:s22] =	ssyncset.done $0x0  }
0xa0: {  	[sflag:s22] =	ssyncadd.s32 s4;
	_ =	sdelay $0x1  }
0xa1: {  	s23 =	simm.s32 $0x1B8B  }
0xa2: {  	_ =	swait.ge [sflag:s23], $0x1  }
0xa3: {  	[sflag:s23] =	ssyncset.done $0x0  }
0xa4: {  	s25 =	simm.s32 $0x1B8E;
	s24 =	sld [smem:$0x3FFE];
	[sflag:s23] =	ssyncadd.s32 $0xFFFFFFFF  }
0xa5: {  	s26 =	simm.s32 $execute0_lowered;
	[smem:$0x3FD2] =	sst s25  }
0xa6: {  	s5 =	sshll.u32 s26, $0x1;
	_ =	strace $0x80000046;
	[dreg:$0x1] =	wrdreg $0xFFFFFFFF  }
0xa7: {  	s28 =	simm.s32 $_size_execute0_lowered;
	s3 =	sadd.s32 s3, s5;
	[dreg:$0x0] =	wrdreg $0x0  }
0xa8: {  	s5 =	sshll.u32 s28, $0x1;
	[dreg:$0x2] =	wrdreg s3  }
0xa9: {  	[dreg:$0x3] =	wrdreg s5  }
0xaa: {  	[dreg:$0x4] =	wrdreg $0xC0  }
0xab: {  	_ =	task [dreg:s7], $0x5FFFF  }
0xac: {  	[dreg:$0x1] =	wrdreg $0xFFFFFFFF  }
0xad: {  	[dreg:$0x0] =	wrdreg $0x60  }
0xae: {  	[dreg:$0x2] =	wrdreg s24  }
0xaf: {  	[dreg:$0x3] =	wrdreg s2  }
0xb0: {  	[dreg:$0x4] =	wrdreg $0x9  }
0xb1: {  	_ =	task.clear_ibuf [dreg:s7], $0x5FFFF;
	_ =	strace $0x90000046  }
0xb2: {  	s29 =	simm.s32 $0x9;
	_ =	strace $0x80000048  }
0xb3: {  	_ =	swait.ge [sflag:s29], $0x1  }
0xb4: {  	[sflag:s29] =	ssyncadd.s32 $0xFFFFFFFF  }
0xb5: {  	_ =	strace $0x90000048  }
0xb6: {  	_ =	sfence  }
0xb7: {  	s30 =	sld [smem:$0x0];
	_ =	sdelay $0x2  }
0xb8: {  	s31 =	sshll.u32 s1, $0xD;
	s1 =	sshrl.u32 s1, $0x2  }
0xb9: {  	s3 =	sand.u32 $0x4000, s31;
	s1 =	sadd.s32 s1, s30  }
0xba: {  	s0 =	sor.u32 s3, s0;
	s1 =	sshll.u32 s1, $0x11  }
0xbb: {  	s0 =	sor.u32 s1, s0  }
0xbc: {  	s0 =	sadd.s32 $0x8F2B, s0  }
0xbd: {  	[sflag:s0] =	ssyncadd.remote.s32 $0x1  }
0xbe: {  	_ =	sfence.sel $0xFFFF  }
0xbf: {  	[dreg:$0x0] =	wrdreg $0xFFFFFFFF;
	(pc) =	sbr.abs _section_cstart, $3  }
0xc0: {  	[dreg:$0x1] =	wrdreg $0xFFFFFFFF  }
0xc1: {  	_ =	task.clear_ibuf [dreg:s7], $0x2FFFF;
	_ =	strace $0x9FFFFFFF  }
0xc2: {  	(tm) =	ssettm $0x7FFFFFFF  }
0xc3: {  	_ =	shalt  }
tec
execute0_lowered:
.L_overlay_start_1:
0x0: {  	(tag) =	ssettag $0x1  }
0x1: {  	s1 =	rddreg [dreg:$0x0];
	s2 =	stileid.u32  }
0x2: {  	s3 =	rddreg [dreg:$0x1];
	s4 =	sshll.u32 s2, $0x6;
	s2 =	simm.s32 $0x0  }
0x3: {  	s6 =	simm.s32 $0x80;
	[smem:$0x7FF] =	sst s2  }
0x4: {  	s7 =	simm.s32 $0x100;
	_ =	strace $0x80000047;
	[dreg:$0x4] =	wrdreg s6  }
0x5: {  	s8 =	simm.s32 $0x180;
	[dreg:$0x5] =	wrdreg s7  }
0x6: {  	s9 =	simm.s32 $0x200;
	[dreg:$0x6] =	wrdreg s8  }
0x7: {  	s10 =	simm.s32 $0x280;
	[dreg:$0x7] =	wrdreg s9  }
0x8: {  	s11 =	simm.s32 $0x300;
	[dreg:$0x8] =	wrdreg s10  }
0x9: {  	s12 =	simm.s32 $0x380;
	[dreg:$0x9] =	wrdreg s11  }
0xa: {  	s14 =	simm.s32 $0x400;
	[dreg:$0xa] =	wrdreg s12  }
0xb: {  	s15 =	simm.s32 $0x480;
	[dreg:$0xb] =	wrdreg s14  }
0xc: {  	s0 =	srdreg.scid;
	s16 =	simm.s32 $0x500;
	[dreg:$0xc] =	wrdreg s15  }
0xd: {  	s17 =	simm.s32 $0x580;
	s18 =	simm.s32 $0x600;
	[dreg:$0xd] =	wrdreg s16  }
0xe: {  	s19 =	simm.s32 $0x680;
	s21 =	simm.s32 $0x700;
	[dreg:$0xe] =	wrdreg s17  }
0xf: {  	s22 =	simm.s32 $0x780;
	s23 =	simm.s32 $0x800;
	[dreg:$0xf] =	wrdreg s18  }
0x10: {  	s24 =	simm.s32 $0x880;
	s25 =	simm.s32 $0x32;
	[dreg:$0x10] =	wrdreg s19  }
0x11: {  	s26 =	simm.s32 $0x900;
	p0 =	por $0x0, $0x0;
	[dreg:$0x11] =	wrdreg s21  }
0x12: {  	s28 =	simm.s32 $0x1;
	s0 =	sand.u32 $0x1, s0;
	[dreg:$0x12] =	wrdreg s22  }
0x13: {  	s5 =	sshll.u32 s0, $0x5;
	s0 =	ssub.s32 $0x2, s0;
	[dreg:$0x13] =	wrdreg s23  }
0x14: {  	s4 =	sor.u32 s5, s4;
	s6 =	sshrl.u32 s0, $0x1;
	[dreg:$0x14] =	wrdreg s24  }
0x15: {  	s16 =	simm.s32 $0x1000;
	[dreg:$0x15] =	wrdreg s26;
	s17 =	simm.s32 $0x2C00  }
0x16: {  	s18 =	simm.s32 $0x4800;
	s7 =	simm.s32 $0xA80;
	s19 =	simm.s32 $0x6400  }
0x17: {  	s8 =	simm.s32 $0xB00;
	s9 =	simm.s32 $0xB80;
	s21 =	simm.s32 $0x9C00  }
0x18: {  	s10 =	simm.s32 $0xC00;
	s22 =	simm.s32 $0xB800;
	[dreg:$0x18] =	wrdreg s7  }
0x19: {  	s11 =	simm.s32 $0xC80;
	s23 =	simm.s32 $0xD400;
	[dreg:$0x19] =	wrdreg s8  }
0x1a: {  	s12 =	simm.s32 $0xD00;
	s14 =	simm.s32 $0xE00;
	[dreg:$0x1a] =	wrdreg s9  }
0x1b: {  	s15 =	simm.s32 $0xE80;
	s24 =	simm.s32 $0xF00;
	[dreg:$0x1b] =	wrdreg s10  }
0x1c: {  	s26 =	simm.s32 $0xF80;
	s5 =	sshll.u32 s4, $0x4;
	[dreg:$0x1c] =	wrdreg s11  }
0x1d: {  	s0 =	ssub.s32 s0, s6;
	s13 =	smul.u32 $0x380, s4;
	[dreg:$0x1d] =	wrdreg s12  }
0x1e: {  	s4 =	smul.u32 $0x1C00, s4;
	s7 =	simm.s32 $0x10C00;
	[dreg:$0x1f] =	wrdreg s14  }
0x1f: {  	s8 =	simm.s32 $0x12800;
	s9 =	simm.s32 $0x14400;
	[smem:$0x7FB] =	sst s15  }
0x20: {  	s11 =	simm.s32 $0x16000;
	[smem:$0x7FC] =	sst s24;
	s12 =	simm.s32 $0x17C00  }
0x21: {  	[smem:$0x7FD] =	sst s26;
	s14 =	simm.s32 $0x1B400;
	s10 =	simm.s32 $0x3  }
0x22: {  	s24 =	simm.s32 $0x2;
	s15 =	simm.s32 $0x4;
	s3 =	sadd.s32 s3, s5  }
0x23: {  	s5 =	sadd.s32 $0x800, s1;
	s1 =	sadd.s32 $0x1000, s1;
	s0 =	smax.u32 s0, $0x1  }
0x24: {  	[dreg:$0x3] =	wrdreg s3;
	s6 =	sadd.s32 s1, s13;
	s4 =	sshrl.u32 s4, $0x3  }
0x25: {  	s3 =	simm.s32 $0x5;
	s13 =	simm.s32 $0xD80;
	[smem:$0x7F8] =	sst s6  }
0x26: {  	p1 =	sne.s32 s0, $0x1;
	s1 =	sadd.s32 s1, s4;
	[dreg:$0x1e] =	wrdreg s13  }
.Ltmp0:
0x27: {  	s6 =	simm.s32 $0xA00;
	s31 =	rddreg [dreg:$0x3];
	(pc) =	sbr.rel @!p1 .LBB2_1-.Ltmp0, $4  }
0x28: {  	s30 =	sadd.s32 $0xFFFFFFFF, s0;
	s4 =	sadd.s32 $0x1C00, s1;
	[dreg:$0x17] =	wrdreg s6  }
0x29: {  	s13 =	simm.s32 $0x19800;
	s20 =	sadd.s32 $0x3800, s1;
	[smem:$0x7F9] =	sst s4  }
0x2a: {  	s29 =	sadd.s32 $0x5400, s1;
	[smem:$0x7FA] =	sst s20;
	s4 =	simm.s32 $0x980  }
0x2b: {  	s6 =	simm.s32 $0xF000;
	s20 =	simm.s32 $0x8000;
	[dreg:$0x16] =	wrdreg s4  }
0x2c: {  	[tilespmem:s2], [sflag:$0x5] =	stream.linear.gather [hbm4b:s31+s2], $0x1000, $0x38;
	[tilespmem:$0x1D000] =	vst v63  }
0x2d: {  	_ =	swait.ge [sflag:s3], $0x1000  }
0x2e: {  	[sflag:s3] =	ssyncset.done $0x0  }
0x2f: {  	[sflag:s3] =	ssyncadd.s32 $0xFFFFF000  }
0x30: {  	[tilespmem:s16], [sflag:$0x1] =	stream.indirect.gather [hbm4b:s5+s25], $0x80, s2, s25, $0xb8;
	[tilespmem:$0x1D000] =	vst v63  }
0x31: {  	s0 =	rddreg [dreg:$0x4]  }
0x32: {  	[tilespmem:s17], [sflag:$0x1] =	stream.indirect.gather [hbm4b:s5+s25], $0x80, s0, s25, $0xb8;
	[tilespmem:$0x1D000] =	vst v63  }
0x33: {  	s1 =	rddreg [dreg:$0x5]  }
0x34: {  	[tilespmem:s18], [sflag:$0x1] =	stream.indirect.gather [hbm4b:s5+s25], $0x80, s1, s25, $0xb8;
	[tilespmem:$0x1D000] =	vst v63  }
0x35: {  	s26 =	rddreg [dreg:$0x6]  }
0x36: {  	[tilespmem:s19], [sflag:$0x1] =	stream.indirect.gather [hbm4b:s5+s25], $0x80, s26, s25, $0xb8;
	[tilespmem:$0x1D000] =	vst v63  }
0x37: {  	s3 =	rddreg [dreg:$0x7]  }
0x38: {  	[tilespmem:s20], [sflag:$0x1] =	stream.indirect.gather [hbm4b:s5+s25], $0x80, s3, s25, $0xb8;
	[tilespmem:$0x1D000] =	vst v63  }
0x39: {  	s4 =	rddreg [dreg:$0x8]  }
0x3a: {  	[tilespmem:s21], [sflag:$0x1] =	stream.indirect.gather [hbm4b:s5+s25], $0x80, s4, s25, $0xb8;
	[tilespmem:$0x1D000] =	vst v63  }
0x3b: {  	s26 =	rddreg [dreg:$0x9]  }
0x3c: {  	[tilespmem:s22], [sflag:$0x1] =	stream.indirect.gather [hbm4b:s5+s25], $0x80, s26, s25, $0xb8;
	[tilespmem:$0x1D000] =	vst v63  }
0x3d: {  	s3 =	rddreg [dreg:$0xa]  }
0x3e: {  	[tilespmem:s23], [sflag:$0x1] =	stream.indirect.gather [hbm4b:s5+s25], $0x80, s3, s25, $0xb8;
	[tilespmem:$0x1D000] =	vst v63  }
0x3f: {  	s4 =	rddreg [dreg:$0xb]  }
0x40: {  	[tilespmem:s6], [sflag:$0x2] =	stream.indirect.gather [hbm4b:s5+s25], $0x80, s4, s25, $0xb8;
	[tilespmem:$0x1D000] =	vst v63  }
0x41: {  	s26 =	rddreg [dreg:$0xc]  }
0x42: {  	[tilespmem:s7], [sflag:$0x2] =	stream.indirect.gather [hbm4b:s5+s25], $0x80, s26, s25, $0xb8;
	[tilespmem:$0x1D000] =	vst v63  }
0x43: {  	s3 =	rddreg [dreg:$0xd]  }
0x44: {  	[tilespmem:s8], [sflag:$0x2] =	stream.indirect.gather [hbm4b:s5+s25], $0x80, s3, s25, $0xb8;
	[tilespmem:$0x1D000] =	vst v63  }
0x45: {  	s4 =	rddreg [dreg:$0xe]  }
0x46: {  	[tilespmem:s9], [sflag:$0x2] =	stream.indirect.gather [hbm4b:s5+s25], $0x80, s4, s25, $0xb8;
	[tilespmem:$0x1D000] =	vst v63  }
0x47: {  	s26 =	rddreg [dreg:$0xf]  }
0x48: {  	[tilespmem:s11], [sflag:$0x2] =	stream.indirect.gather [hbm4b:s5+s25], $0x80, s26, s25, $0xb8;
	[tilespmem:$0x1D000] =	vst v63  }
0x49: {  	s3 =	rddreg [dreg:$0x10]  }
0x4a: {  	[tilespmem:s12], [sflag:$0x2] =	stream.indirect.gather [hbm4b:s5+s25], $0x80, s3, s25, $0xb8;
	[tilespmem:$0x1D000] =	vst v63  }
0x4b: {  	s4 =	rddreg [dreg:$0x11]  }
0x4c: {  	[tilespmem:s13], [sflag:$0x2] =	stream.indirect.gather [hbm4b:s5+s25], $0x80, s4, s25, $0xb8;
	[tilespmem:$0x1D000] =	vst v63  }
0x4d: {  	s26 =	rddreg [dreg:$0x12]  }
0x4e: {  	[tilespmem:s14], [sflag:$0x2] =	stream.indirect.gather [hbm4b:s5+s25], $0x80, s26, s25, $0xb8;
	[tilespmem:$0x1D000] =	vst v63  }
0x4f: {  	_ =	swait.ge [sflag:s28], $0x1900  }
0x50: {  	[sflag:s28] =	ssyncset.done $0x0  }
0x51: {  	[sflag:s28] =	ssyncadd.s32 $0xFFFFE700  }
0x52: {  	_ =	swait.ge [sflag:s28], $0x1900  }
0x53: {  	[sflag:s28] =	ssyncset.done $0x0  }
0x54: {  	[sflag:s28] =	ssyncadd.s32 $0xFFFFE700  }
0x55: {  	_ =	swait.ge [sflag:s28], $0x1900  }
0x56: {  	[sflag:s28] =	ssyncset.done $0x0  }
0x57: {  	[sflag:s28] =	ssyncadd.s32 $0xFFFFE700  }
0x58: {  	_ =	swait.ge [sflag:s28], $0x1900  }
0x59: {  	[sflag:s28] =	ssyncset.done $0x0  }
0x5a: {  	[sflag:s28] =	ssyncadd.s32 $0xFFFFE700  }
0x5b: {  	_ =	swait.ge [sflag:s28], $0x1900  }
0x5c: {  	[sflag:s28] =	ssyncset.done $0x0  }
0x5d: {  	[sflag:s28] =	ssyncadd.s32 $0xFFFFE700  }
0x5e: {  	_ =	swait.ge [sflag:s28], $0x1900  }
0x5f: {  	[sflag:s28] =	ssyncset.done $0x0  }
0x60: {  	[sflag:s28] =	ssyncadd.s32 $0xFFFFE700  }
0x61: {  	_ =	swait.ge [sflag:s28], $0x1900  }
0x62: {  	[sflag:s28] =	ssyncset.done $0x0  }
0x63: {  	[sflag:s28] =	ssyncadd.s32 $0xFFFFE700  }
0x64: {  	_ =	swait.ge [sflag:s28], $0x1900  }
0x65: {  	s0 =	sld [smem:$0x7F8]  }
0x66: {  	[sflag:s28] =	ssyncset.done $0x0  }
0x67: {  	[sflag:s28] =	ssyncadd.s32 $0xFFFFE700  }
0x68: {  	[hbm4b:s0+s2] =	stream.linear.scatter [tilespmem:s16], [sflag:$0x3], $0x1900, $0x38;
	[tilespmem:$0x1D000] =	vst v63  }
0x69: {  	s3 =	sadd.s32 $0x380, s0  }
0x6a: {  	s4 =	sadd.s32 $0x700, s0;
	[smem:$0x7DF] =	sst s3  }
0x6b: {  	[hbm4b:s3+s2] =	stream.linear.scatter [tilespmem:s17], [sflag:$0x3], $0x1900, $0x38;
	[tilespmem:$0x1D000] =	vst v63  }
0x6c: {  	s26 =	sadd.s32 $0xA80, s0;
	[smem:$0x7E0] =	sst s4  }
0x6d: {  	[hbm4b:s4+s2] =	stream.linear.scatter [tilespmem:s18], [sflag:$0x3], $0x1900, $0x38;
	[tilespmem:$0x1D000] =	vst v63  }
0x6e: {  	[smem:$0x7E1] =	sst s26;
	s3 =	sadd.s32 $0xE00, s0  }
0x6f: {  	[hbm4b:s26+s2] =	stream.linear.scatter [tilespmem:s19], [sflag:$0x3], $0x1900, $0x38;
	[tilespmem:$0x1D000] =	vst v63  }
0x70: {  	[smem:$0x7E2] =	sst s3;
	s4 =	sadd.s32 $0x1180, s0  }
0x71: {  	[hbm4b:s3+s2] =	stream.linear.scatter [tilespmem:s20], [sflag:$0x3], $0x1900, $0x38;
	[tilespmem:$0x1D000] =	vst v63  }
0x72: {  	[smem:$0x7E3] =	sst s4;
	s26 =	sadd.s32 $0x1500, s0  }
0x73: {  	[hbm4b:s4+s2] =	stream.linear.scatter [tilespmem:s21], [sflag:$0x3], $0x1900, $0x38;
	[tilespmem:$0x1D000] =	vst v63  }
0x74: {  	s0 =	sadd.s32 $0x1880, s0;
	[smem:$0x7E4] =	sst s26  }
0x75: {  	[hbm4b:s26+s2] =	stream.linear.scatter [tilespmem:s22], [sflag:$0x3], $0x1900, $0x38;
	[tilespmem:$0x1D000] =	vst v63  }
0x76: {  	[smem:$0x7E5] =	sst s0  }
0x77: {  	[hbm4b:s0+s2] =	stream.linear.scatter [tilespmem:s23], [sflag:$0x3], $0x1900, $0x38;
	[tilespmem:$0x1D000] =	vst v63  }
0x78: {  	_ =	swait.ge [sflag:s10], $0xC800  }
0x79: {  	[sflag:s10] =	ssyncset.done $0x0  }
0x7a: {  	s1 =	rddreg [dreg:$0x13];
	[sflag:s10] =	ssyncadd.s32 $0xFFFF3800  }
0x7b: {  	[tilespmem:s16], [sflag:$0x1] =	stream.indirect.gather [hbm4b:s5+s25], $0x80, s1, s25, $0xb8;
	[tilespmem:$0x1D000] =	vst v63  }
0x7c: {  	s3 =	rddreg [dreg:$0x14]  }
0x7d: {  	[tilespmem:s17], [sflag:$0x1] =	stream.indirect.gather [hbm4b:s5+s25], $0x80, s3, s25, $0xb8;
	[tilespmem:$0x1D000] =	vst v63  }
0x7e: {  	s4 =	rddreg [dreg:$0x15]  }
0x7f: {  	[tilespmem:s18], [sflag:$0x1] =	stream.indirect.gather [hbm4b:s5+s25], $0x80, s4, s25, $0xb8;
	[tilespmem:$0x1D000] =	vst v63  }
0x80: {  	s26 =	rddreg [dreg:$0x16]  }
0x81: {  	[tilespmem:s19], [sflag:$0x1] =	stream.indirect.gather [hbm4b:s5+s25], $0x80, s26, s25, $0xb8;
	[tilespmem:$0x1D000] =	vst v63  }
0x82: {  	s3 =	rddreg [dreg:$0x17]  }
0x83: {  	[tilespmem:s20], [sflag:$0x1] =	stream.indirect.gather [hbm4b:s5+s25], $0x80, s3, s25, $0xb8;
	[tilespmem:$0x1D000] =	vst v63  }
0x84: {  	s4 =	rddreg [dreg:$0x18]  }
0x85: {  	[tilespmem:s21], [sflag:$0x1] =	stream.indirect.gather [hbm4b:s5+s25], $0x80, s4, s25, $0xb8;
	[tilespmem:$0x1D000] =	vst v63  }
0x86: {  	s26 =	rddreg [dreg:$0x19]  }
0x87: {  	[tilespmem:s22], [sflag:$0x1] =	stream.indirect.gather [hbm4b:s5+s25], $0x80, s26, s25, $0xb8;
	[tilespmem:$0x1D000] =	vst v63  }
0x88: {  	s3 =	rddreg [dreg:$0x1a]  }
0x89: {  	[tilespmem:s23], [sflag:$0x1] =	stream.indirect.gather [hbm4b:s5+s25], $0x80, s3, s25, $0xb8;
	[tilespmem:$0x1D000] =	vst v63  }
0x8a: {  	_ =	swait.ge [sflag:s24], $0x1900  }
0x8b: {  	[sflag:s24] =	ssyncset.done $0x0  }
0x8c: {  	[sflag:s24] =	ssyncadd.s32 $0xFFFFE700  }
0x8d: {  	_ =	swait.ge [sflag:s24], $0x1900  }
0x8e: {  	[sflag:s24] =	ssyncset.done $0x0  }
0x8f: {  	[sflag:s24] =	ssyncadd.s32 $0xFFFFE700  }
0x90: {  	_ =	swait.ge [sflag:s24], $0x1900  }
0x91: {  	[sflag:s24] =	ssyncset.done $0x0  }
0x92: {  	[sflag:s24] =	ssyncadd.s32 $0xFFFFE700  }
0x93: {  	_ =	swait.ge [sflag:s24], $0x1900  }
0x94: {  	[sflag:s24] =	ssyncset.done $0x0  }
0x95: {  	[sflag:s24] =	ssyncadd.s32 $0xFFFFE700  }
0x96: {  	_ =	swait.ge [sflag:s24], $0x1900  }
0x97: {  	[sflag:s24] =	ssyncset.done $0x0  }
0x98: {  	[sflag:s24] =	ssyncadd.s32 $0xFFFFE700  }
0x99: {  	_ =	swait.ge [sflag:s24], $0x1900  }
0x9a: {  	[sflag:s24] =	ssyncset.done $0x0  }
0x9b: {  	[sflag:s24] =	ssyncadd.s32 $0xFFFFE700  }
0x9c: {  	_ =	swait.ge [sflag:s24], $0x1900  }
0x9d: {  	[sflag:s24] =	ssyncset.done $0x0  }
0x9e: {  	[sflag:s24] =	ssyncadd.s32 $0xFFFFE700  }
0x9f: {  	_ =	swait.ge [sflag:s24], $0x1900  }
0xa0: {  	s0 =	sld [smem:$0x7F9]  }
0xa1: {  	[sflag:s24] =	ssyncset.done $0x0  }
0xa2: {  	[sflag:s24] =	ssyncadd.s32 $0xFFFFE700  }
0xa3: {  	[hbm4b:s0+s2] =	stream.linear.scatter [tilespmem:s6], [sflag:$0x4], $0x1900, $0x38;
	[tilespmem:$0x1D000] =	vst v63  }
0xa4: {  	s4 =	sadd.s32 $0x380, s0  }
0xa5: {  	s26 =	sadd.s32 $0x700, s0;
	[smem:$0x7E6] =	sst s4  }
0xa6: {  	[hbm4b:s4+s2] =	stream.linear.scatter [tilespmem:s7], [sflag:$0x4], $0x1900, $0x38;
	[tilespmem:$0x1D000] =	vst v63  }
0xa7: {  	s3 =	sadd.s32 $0xA80, s0;
	[smem:$0x7E7] =	sst s26  }
0xa8: {  	[hbm4b:s26+s2] =	stream.linear.scatter [tilespmem:s8], [sflag:$0x4], $0x1900, $0x38;
	[tilespmem:$0x1D000] =	vst v63  }
0xa9: {  	[smem:$0x7E8] =	sst s3;
	s4 =	sadd.s32 $0xE00, s0  }
0xaa: {  	[hbm4b:s3+s2] =	stream.linear.scatter [tilespmem:s9], [sflag:$0x4], $0x1900, $0x38;
	[tilespmem:$0x1D000] =	vst v63  }
0xab: {  	[smem:$0x7E9] =	sst s4;
	s26 =	sadd.s32 $0x1180, s0  }
0xac: {  	[hbm4b:s4+s2] =	stream.linear.scatter [tilespmem:s11], [sflag:$0x4], $0x1900, $0x38;
	[tilespmem:$0x1D000] =	vst v63  }
0xad: {  	[smem:$0x7EA] =	sst s26;
	s3 =	sadd.s32 $0x1500, s0  }
0xae: {  	[hbm4b:s26+s2] =	stream.linear.scatter [tilespmem:s12], [sflag:$0x4], $0x1900, $0x38;
	[tilespmem:$0x1D000] =	vst v63  }
0xaf: {  	s0 =	sadd.s32 $0x1880, s0;
	[smem:$0x7EB] =	sst s3  }
0xb0: {  	[hbm4b:s3+s2] =	stream.linear.scatter [tilespmem:s13], [sflag:$0x4], $0x1900, $0x38;
	[tilespmem:$0x1D000] =	vst v63  }
0xb1: {  	[smem:$0x7EC] =	sst s0  }
0xb2: {  	[hbm4b:s0+s2] =	stream.linear.scatter [tilespmem:s14], [sflag:$0x4], $0x1900, $0x38;
	[tilespmem:$0x1D000] =	vst v63  }
0xb3: {  	_ =	swait.ge [sflag:s15], $0xC800  }
0xb4: {  	s4 =	rddreg [dreg:$0x1b];
	[sflag:s15] =	ssyncset.done $0x0  }
0xb5: {  	s26 =	rddreg [dreg:$0x1c];
	[sflag:s15] =	ssyncadd.s32 $0xFFFF3800  }
0xb6: {  	[tilespmem:s6], [sflag:$0x2] =	stream.indirect.gather [hbm4b:s5+s25], $0x80, s4, s25, $0xb8;
	[tilespmem:$0x1D000] =	vst v63  }
0xb7: {  	s3 =	rddreg [dreg:$0x1d]  }
0xb8: {  	[tilespmem:s7], [sflag:$0x2] =	stream.indirect.gather [hbm4b:s5+s25], $0x80, s26, s25, $0xb8;
	[tilespmem:$0x1D000] =	vst v63  }
0xb9: {  	s4 =	rddreg [dreg:$0x1e]  }
0xba: {  	[tilespmem:s8], [sflag:$0x2] =	stream.indirect.gather [hbm4b:s5+s25], $0x80, s3, s25, $0xb8;
	[tilespmem:$0x1D000] =	vst v63  }
0xbb: {  	s26 =	rddreg [dreg:$0x1f]  }
0xbc: {  	[tilespmem:s9], [sflag:$0x2] =	stream.indirect.gather [hbm4b:s5+s25], $0x80, s4, s25, $0xb8;
	[tilespmem:$0x1D000] =	vst v63  }
0xbd: {  	s3 =	sld [smem:$0x7FB]  }
0xbe: {  	[tilespmem:s11], [sflag:$0x2] =	stream.indirect.gather [hbm4b:s5+s25], $0x80, s26, s25, $0xb8;
	[tilespmem:$0x1D000] =	vst v63  }
0xbf: {  	s4 =	sld [smem:$0x7FC]  }
0xc0: {  	[tilespmem:s12], [sflag:$0x2] =	stream.indirect.gather [hbm4b:s5+s25], $0x80, s3, s25, $0xb8;
	[tilespmem:$0x1D000] =	vst v63  }
0xc1: {  	s26 =	sld [smem:$0x7FD]  }
0xc2: {  	[tilespmem:s13], [sflag:$0x2] =	stream.indirect.gather [hbm4b:s5+s25], $0x80, s4, s25, $0xb8;
	[tilespmem:$0x1D000] =	vst v63  }
0xc3: {  	_ = 	snop  }
0xc4: {  	[tilespmem:s14], [sflag:$0x2] =	stream.indirect.gather [hbm4b:s5+s25], $0x80, s26, s25, $0xb8;
	[tilespmem:$0x1D000] =	vst v63  }
0xc5: {  	_ =	swait.ge [sflag:s28], $0x1900  }
0xc6: {  	[sflag:s28] =	ssyncset.done $0x0  }
0xc7: {  	[sflag:s28] =	ssyncadd.s32 $0xFFFFE700  }
0xc8: {  	_ =	swait.ge [sflag:s28], $0x1900  }
0xc9: {  	[sflag:s28] =	ssyncset.done $0x0  }
0xca: {  	[sflag:s28] =	ssyncadd.s32 $0xFFFFE700  }
0xcb: {  	_ =	swait.ge [sflag:s28], $0x1900  }
0xcc: {  	[sflag:s28] =	ssyncset.done $0x0  }
0xcd: {  	[sflag:s28] =	ssyncadd.s32 $0xFFFFE700  }
0xce: {  	_ =	swait.ge [sflag:s28], $0x1900  }
0xcf: {  	[sflag:s28] =	ssyncset.done $0x0  }
0xd0: {  	[sflag:s28] =	ssyncadd.s32 $0xFFFFE700  }
0xd1: {  	_ =	swait.ge [sflag:s28], $0x1900  }
0xd2: {  	[sflag:s28] =	ssyncset.done $0x0  }
0xd3: {  	[sflag:s28] =	ssyncadd.s32 $0xFFFFE700  }
0xd4: {  	_ =	swait.ge [sflag:s28], $0x1900  }
0xd5: {  	[sflag:s28] =	ssyncset.done $0x0  }
0xd6: {  	[sflag:s28] =	ssyncadd.s32 $0xFFFFE700  }
0xd7: {  	_ =	swait.ge [sflag:s28], $0x1900  }
0xd8: {  	[sflag:s28] =	ssyncset.done $0x0  }
0xd9: {  	[sflag:s28] =	ssyncadd.s32 $0xFFFFE700  }
0xda: {  	_ =	swait.ge [sflag:s28], $0x1900  }
0xdb: {  	s0 =	sld [smem:$0x7FA]  }
0xdc: {  	[sflag:s28] =	ssyncset.done $0x0  }
0xdd: {  	[sflag:s28] =	ssyncadd.s32 $0xFFFFE700  }
0xde: {  	[hbm4b:s0+s2] =	stream.linear.scatter [tilespmem:s16], [sflag:$0x3], $0x1900, $0x38;
	[tilespmem:$0x1D000] =	vst v63  }
0xdf: {  	s3 =	sadd.s32 $0x380, s0  }
0xe0: {  	s4 =	sadd.s32 $0x700, s0;
	[smem:$0x7ED] =	sst s3  }
0xe1: {  	[hbm4b:s3+s2] =	stream.linear.scatter [tilespmem:s17], [sflag:$0x3], $0x1900, $0x38;
	[tilespmem:$0x1D000] =	vst v63  }
0xe2: {  	s26 =	sadd.s32 $0xA80, s0;
	[smem:$0x7EE] =	sst s4  }
0xe3: {  	[hbm4b:s4+s2] =	stream.linear.scatter [tilespmem:s18], [sflag:$0x3], $0x1900, $0x38;
	[tilespmem:$0x1D000] =	vst v63  }
0xe4: {  	[smem:$0x7EF] =	sst s26;
	s3 =	sadd.s32 $0xE00, s0  }
0xe5: {  	[hbm4b:s26+s2] =	stream.linear.scatter [tilespmem:s19], [sflag:$0x3], $0x1900, $0x38;
	[tilespmem:$0x1D000] =	vst v63  }
0xe6: {  	[smem:$0x7F0] =	sst s3;
	s4 =	sadd.s32 $0x1180, s0  }
0xe7: {  	[hbm4b:s3+s2] =	stream.linear.scatter [tilespmem:s20], [sflag:$0x3], $0x1900, $0x38;
	[tilespmem:$0x1D000] =	vst v63  }
0xe8: {  	[smem:$0x7F1] =	sst s4;
	s26 =	sadd.s32 $0x1500, s0  }
0xe9: {  	[hbm4b:s4+s2] =	stream.linear.scatter [tilespmem:s21], [sflag:$0x3], $0x1900, $0x38;
	[tilespmem:$0x1D000] =	vst v63  }
0xea: {  	s0 =	sadd.s32 $0x1880, s0;
	[smem:$0x7F2] =	sst s26  }
0xeb: {  	[hbm4b:s26+s2] =	stream.linear.scatter [tilespmem:s22], [sflag:$0x3], $0x1900, $0x38;
	[tilespmem:$0x1D000] =	vst v63  }
0xec: {  	[smem:$0x7F3] =	sst s0  }
0xed: {  	[hbm4b:s0+s2] =	stream.linear.scatter [tilespmem:s23], [sflag:$0x3], $0x1900, $0x38;
	[tilespmem:$0x1D000] =	vst v63  }
0xee: {  	_ =	swait.ge [sflag:s24], $0x1900  }
0xef: {  	[sflag:s24] =	ssyncset.done $0x0  }
0xf0: {  	[sflag:s24] =	ssyncadd.s32 $0xFFFFE700  }
0xf1: {  	_ =	swait.ge [sflag:s24], $0x1900  }
0xf2: {  	[sflag:s24] =	ssyncset.done $0x0  }
0xf3: {  	[sflag:s24] =	ssyncadd.s32 $0xFFFFE700  }
0xf4: {  	_ =	swait.ge [sflag:s24], $0x1900  }
0xf5: {  	[sflag:s24] =	ssyncset.done $0x0  }
0xf6: {  	[sflag:s24] =	ssyncadd.s32 $0xFFFFE700  }
0xf7: {  	_ =	swait.ge [sflag:s24], $0x1900  }
0xf8: {  	[sflag:s24] =	ssyncset.done $0x0  }
0xf9: {  	[sflag:s24] =	ssyncadd.s32 $0xFFFFE700  }
0xfa: {  	_ =	swait.ge [sflag:s24], $0x1900  }
0xfb: {  	[sflag:s24] =	ssyncset.done $0x0  }
0xfc: {  	[sflag:s24] =	ssyncadd.s32 $0xFFFFE700  }
0xfd: {  	_ =	swait.ge [sflag:s24], $0x1900  }
0xfe: {  	[sflag:s24] =	ssyncset.done $0x0  }
0xff: {  	[sflag:s24] =	ssyncadd.s32 $0xFFFFE700  }
0x100: {  	_ =	swait.ge [sflag:s24], $0x1900  }
0x101: {  	[sflag:s24] =	ssyncset.done $0x0  }
0x102: {  	[sflag:s24] =	ssyncadd.s32 $0xFFFFE700  }
0x103: {  	_ =	swait.ge [sflag:s24], $0x1900  }
0x104: {  	[sflag:s24] =	ssyncset.done $0x0  }
0x105: {  	[sflag:s24] =	ssyncadd.s32 $0xFFFFE700  }
0x106: {  	[hbm4b:s29+s2] =	stream.linear.scatter [tilespmem:s6], [sflag:$0x4], $0x1900, $0x38;
	[tilespmem:$0x1D000] =	vst v63  }
0x107: {  	s3 =	sadd.s32 $0x380, s29  }
0x108: {  	[hbm4b:s3+s2] =	stream.linear.scatter [tilespmem:s7], [sflag:$0x4], $0x1900, $0x38;
	[tilespmem:$0x1D000] =	vst v63  }
0x109: {  	s4 =	sadd.s32 $0x700, s29  }
0x10a: {  	[hbm4b:s4+s2] =	stream.linear.scatter [tilespmem:s8], [sflag:$0x4], $0x1900, $0x38;
	[tilespmem:$0x1D000] =	vst v63  }
0x10b: {  	s26 =	sadd.s32 $0xA80, s29  }
0x10c: {  	[hbm4b:s26+s2] =	stream.linear.scatter [tilespmem:s9], [sflag:$0x4], $0x1900, $0x38;
	[tilespmem:$0x1D000] =	vst v63  }
0x10d: {  	s0 =	sadd.s32 $0xE00, s29;
	[smem:$0x7F4] =	sst s3  }
0x10e: {  	[hbm4b:s0+s2] =	stream.linear.scatter [tilespmem:s11], [sflag:$0x4], $0x1900, $0x38;
	[tilespmem:$0x1D000] =	vst v63  }
0x10f: {  	[smem:$0x7F5] =	sst s4;
	s4 =	sadd.s32 $0x1180, s29  }
0x110: {  	[hbm4b:s4+s2] =	stream.linear.scatter [tilespmem:s12], [sflag:$0x4], $0x1900, $0x38;
	[tilespmem:$0x1D000] =	vst v63  }
0x111: {  	s1 =	sadd.s32 $0x1500, s29;
	[smem:$0x7F6] =	sst s26  }
0x112: {  	[hbm4b:s1+s2] =	stream.linear.scatter [tilespmem:s13], [sflag:$0x4], $0x1900, $0x38;
	[tilespmem:$0x1D000] =	vst v63  }
0x113: {  	p1 =	sne.s32 s30, $0x1;
	[smem:$0x7F7] =	sst s29;
	s29 =	sadd.s32 $0x1880, s29  }
0x114: {  	[hbm4b:s29+s2] =	stream.linear.scatter [tilespmem:s14], [sflag:$0x4], $0x1900, $0x38;
	[tilespmem:$0x1D000] =	vst v63  }
.Ltmp1:
0x115: {  	_ =	swait.ge [sflag:s15], $0xC800;
	(pc) =	sbr.rel @!p1 .LBB2_7-.Ltmp1, $4  }
0x116: {  	[sflag:s15] =	ssyncset.done $0x0  }
0x117: {  	s30 =	sadd.s32 $0xFFFFFFFF, s30;
	p0 =	por $0x1, $0x1;
	[sflag:s15] =	ssyncadd.s32 $0xFFFF3800  }
0x118: {  	s3 =	simm.s32 $0x5;
	s26 =	smov.u32 s0;
	_ =	swait.ge [sflag:s10], $0xC800  }
0x119: {  	s0 =	smov.u32 s4;
	[sflag:s10] =	ssyncset.done $0x0;
	s31 =	rddreg [dreg:$0x3]  }
0x11a: {  	s4 =	smov.u32 s1  }
.LBB2_4:
0x11b: {  	[sflag:s10] =	ssyncadd.s32 $0xFFFF3800  }
0x11c: {  	[tilespmem:s2], [sflag:$0x5] =	stream.linear.gather [hbm4b:s31+s2], $0x1000, $0x38;
	[tilespmem:$0x1D000] =	vst v63  }
0x11d: {  	_ =	swait.ge [sflag:s3], $0x1000  }
0x11e: {  	[sflag:s3] =	ssyncset.done $0x0  }
0x11f: {  	[sflag:s3] =	ssyncadd.s32 $0xFFFFF000  }
0x120: {  	[tilespmem:s16], [sflag:$0x1] =	stream.indirect.gather [hbm4b:s5+s25], $0x80, s2, s25, $0xb8;
	[tilespmem:$0x1D000] =	vst v63  }
0x121: {  	s31 =	rddreg [dreg:$0x4]  }
0x122: {  	[tilespmem:s17], [sflag:$0x1] =	stream.indirect.gather [hbm4b:s5+s25], $0x80, s31, s25, $0xb8;
	[tilespmem:$0x1D000] =	vst v63  }
0x123: {  	s1 =	rddreg [dreg:$0x5]  }
0x124: {  	[tilespmem:s18], [sflag:$0x1] =	stream.indirect.gather [hbm4b:s5+s25], $0x80, s1, s25, $0xb8;
	[tilespmem:$0x1D000] =	vst v63  }
0x125: {  	s31 =	rddreg [dreg:$0x6]  }
0x126: {  	[tilespmem:s19], [sflag:$0x1] =	stream.indirect.gather [hbm4b:s5+s25], $0x80, s31, s25, $0xb8;
	[tilespmem:$0x1D000] =	vst v63  }
0x127: {  	s1 =	rddreg [dreg:$0x7]  }
0x128: {  	[tilespmem:s20], [sflag:$0x1] =	stream.indirect.gather [hbm4b:s5+s25], $0x80, s1, s25, $0xb8;
	[tilespmem:$0x1D000] =	vst v63  }
0x129: {  	s31 =	rddreg [dreg:$0x8]  }
0x12a: {  	[tilespmem:s21], [sflag:$0x1] =	stream.indirect.gather [hbm4b:s5+s25], $0x80, s31, s25, $0xb8;
	[tilespmem:$0x1D000] =	vst v63  }
0x12b: {  	s1 =	rddreg [dreg:$0x9]  }
0x12c: {  	[tilespmem:s22], [sflag:$0x1] =	stream.indirect.gather [hbm4b:s5+s25], $0x80, s1, s25, $0xb8;
	[tilespmem:$0x1D000] =	vst v63  }
0x12d: {  	s31 =	rddreg [dreg:$0xa]  }
0x12e: {  	[tilespmem:s23], [sflag:$0x1] =	stream.indirect.gather [hbm4b:s5+s25], $0x80, s31, s25, $0xb8;
	[tilespmem:$0x1D000] =	vst v63  }
0x12f: {  	s1 =	rddreg [dreg:$0xb]  }
0x130: {  	[tilespmem:s6], [sflag:$0x2] =	stream.indirect.gather [hbm4b:s5+s25], $0x80, s1, s25, $0xb8;
	[tilespmem:$0x1D000] =	vst v63  }
0x131: {  	s31 =	rddreg [dreg:$0xc]  }
0x132: {  	[tilespmem:s7], [sflag:$0x2] =	stream.indirect.gather [hbm4b:s5+s25], $0x80, s31, s25, $0xb8;
	[tilespmem:$0x1D000] =	vst v63  }
0x133: {  	s1 =	rddreg [dreg:$0xd]  }
0x134: {  	[tilespmem:s8], [sflag:$0x2] =	stream.indirect.gather [hbm4b:s5+s25], $0x80, s1, s25, $0xb8;
	[tilespmem:$0x1D000] =	vst v63  }
0x135: {  	s31 =	rddreg [dreg:$0xe]  }
0x136: {  	[tilespmem:s9], [sflag:$0x2] =	stream.indirect.gather [hbm4b:s5+s25], $0x80, s31, s25, $0xb8;
	[tilespmem:$0x1D000] =	vst v63  }
0x137: {  	s1 =	rddreg [dreg:$0xf]  }
0x138: {  	[tilespmem:s11], [sflag:$0x2] =	stream.indirect.gather [hbm4b:s5+s25], $0x80, s1, s25, $0xb8;
	[tilespmem:$0x1D000] =	vst v63  }
0x139: {  	s31 =	rddreg [dreg:$0x10]  }
0x13a: {  	[tilespmem:s12], [sflag:$0x2] =	stream.indirect.gather [hbm4b:s5+s25], $0x80, s31, s25, $0xb8;
	[tilespmem:$0x1D000] =	vst v63  }
0x13b: {  	s1 =	rddreg [dreg:$0x11]  }
0x13c: {  	[tilespmem:s13], [sflag:$0x2] =	stream.indirect.gather [hbm4b:s5+s25], $0x80, s1, s25, $0xb8;
	[tilespmem:$0x1D000] =	vst v63  }
0x13d: {  	s31 =	rddreg [dreg:$0x12]  }
0x13e: {  	[tilespmem:s14], [sflag:$0x2] =	stream.indirect.gather [hbm4b:s5+s25], $0x80, s31, s25, $0xb8;
	[tilespmem:$0x1D000] =	vst v63  }
0x13f: {  	_ =	swait.ge [sflag:s28], $0x1900  }
0x140: {  	[sflag:s28] =	ssyncset.done $0x0  }
0x141: {  	[sflag:s28] =	ssyncadd.s32 $0xFFFFE700  }
0x142: {  	_ =	swait.ge [sflag:s28], $0x1900  }
0x143: {  	[sflag:s28] =	ssyncset.done $0x0  }
0x144: {  	[sflag:s28] =	ssyncadd.s32 $0xFFFFE700  }
0x145: {  	_ =	swait.ge [sflag:s28], $0x1900  }
0x146: {  	[sflag:s28] =	ssyncset.done $0x0  }
0x147: {  	[sflag:s28] =	ssyncadd.s32 $0xFFFFE700  }
0x148: {  	_ =	swait.ge [sflag:s28], $0x1900  }
0x149: {  	[sflag:s28] =	ssyncset.done $0x0  }
0x14a: {  	[sflag:s28] =	ssyncadd.s32 $0xFFFFE700  }
0x14b: {  	_ =	swait.ge [sflag:s28], $0x1900  }
0x14c: {  	[sflag:s28] =	ssyncset.done $0x0  }
0x14d: {  	[sflag:s28] =	ssyncadd.s32 $0xFFFFE700  }
0x14e: {  	_ =	swait.ge [sflag:s28], $0x1900  }
0x14f: {  	[sflag:s28] =	ssyncset.done $0x0  }
0x150: {  	[sflag:s28] =	ssyncadd.s32 $0xFFFFE700  }
0x151: {  	_ =	swait.ge [sflag:s28], $0x1900  }
0x152: {  	[sflag:s28] =	ssyncset.done $0x0  }
0x153: {  	[sflag:s28] =	ssyncadd.s32 $0xFFFFE700  }
0x154: {  	_ =	swait.ge [sflag:s28], $0x1900  }
0x155: {  	s1 =	sld [smem:$0x7F8]  }
0x156: {  	[sflag:s28] =	ssyncset.done $0x0  }
0x157: {  	[sflag:s28] =	ssyncadd.s32 $0xFFFFE700  }
0x158: {  	[hbm4b:s1+s2] =	stream.linear.scatter [tilespmem:s16], [sflag:$0x3], $0x1900, $0x38;
	[tilespmem:$0x1D000] =	vst v63  }
0x159: {  	s1 =	sld [smem:$0x7DF];
	_ =	sdelay $0x2  }
0x15a: {  	[hbm4b:s1+s2] =	stream.linear.scatter [tilespmem:s17], [sflag:$0x3], $0x1900, $0x38;
	[tilespmem:$0x1D000] =	vst v63  }
0x15b: {  	s1 =	sld [smem:$0x7E0];
	_ =	sdelay $0x2  }
0x15c: {  	[hbm4b:s1+s2] =	stream.linear.scatter [tilespmem:s18], [sflag:$0x3], $0x1900, $0x38;
	[tilespmem:$0x1D000] =	vst v63  }
0x15d: {  	s1 =	sld [smem:$0x7E1];
	_ =	sdelay $0x2  }
0x15e: {  	[hbm4b:s1+s2] =	stream.linear.scatter [tilespmem:s19], [sflag:$0x3], $0x1900, $0x38;
	[tilespmem:$0x1D000] =	vst v63  }
0x15f: {  	s1 =	sld [smem:$0x7E2];
	_ =	sdelay $0x2  }
0x160: {  	[hbm4b:s1+s2] =	stream.linear.scatter [tilespmem:s20], [sflag:$0x3], $0x1900, $0x38;
	[tilespmem:$0x1D000] =	vst v63  }
0x161: {  	s1 =	sld [smem:$0x7E3];
	_ =	sdelay $0x2  }
0x162: {  	[hbm4b:s1+s2] =	stream.linear.scatter [tilespmem:s21], [sflag:$0x3], $0x1900, $0x38;
	[tilespmem:$0x1D000] =	vst v63  }
0x163: {  	s1 =	sld [smem:$0x7E4];
	_ =	sdelay $0x2  }
0x164: {  	[hbm4b:s1+s2] =	stream.linear.scatter [tilespmem:s22], [sflag:$0x3], $0x1900, $0x38;
	[tilespmem:$0x1D000] =	vst v63  }
0x165: {  	s1 =	sld [smem:$0x7E5];
	_ =	sdelay $0x2  }
0x166: {  	[hbm4b:s1+s2] =	stream.linear.scatter [tilespmem:s23], [sflag:$0x3], $0x1900, $0x38;
	[tilespmem:$0x1D000] =	vst v63  }
0x167: {  	_ =	swait.ge [sflag:s10], $0xC800  }
0x168: {  	[sflag:s10] =	ssyncset.done $0x0  }
0x169: {  	s1 =	rddreg [dreg:$0x13];
	[sflag:s10] =	ssyncadd.s32 $0xFFFF3800  }
0x16a: {  	[tilespmem:s16], [sflag:$0x1] =	stream.indirect.gather [hbm4b:s5+s25], $0x80, s1, s25, $0xb8;
	[tilespmem:$0x1D000] =	vst v63  }
0x16b: {  	s31 =	rddreg [dreg:$0x14]  }
0x16c: {  	[tilespmem:s17], [sflag:$0x1] =	stream.indirect.gather [hbm4b:s5+s25], $0x80, s31, s25, $0xb8;
	[tilespmem:$0x1D000] =	vst v63  }
0x16d: {  	s1 =	rddreg [dreg:$0x15]  }
0x16e: {  	[tilespmem:s18], [sflag:$0x1] =	stream.indirect.gather [hbm4b:s5+s25], $0x80, s1, s25, $0xb8;
	[tilespmem:$0x1D000] =	vst v63  }
0x16f: {  	s31 =	rddreg [dreg:$0x16]  }
0x170: {  	[tilespmem:s19], [sflag:$0x1] =	stream.indirect.gather [hbm4b:s5+s25], $0x80, s31, s25, $0xb8;
	[tilespmem:$0x1D000] =	vst v63  }
0x171: {  	s1 =	rddreg [dreg:$0x17]  }
0x172: {  	[tilespmem:s20], [sflag:$0x1] =	stream.indirect.gather [hbm4b:s5+s25], $0x80, s1, s25, $0xb8;
	[tilespmem:$0x1D000] =	vst v63  }
0x173: {  	s31 =	rddreg [dreg:$0x18]  }
0x174: {  	[tilespmem:s21], [sflag:$0x1] =	stream.indirect.gather [hbm4b:s5+s25], $0x80, s31, s25, $0xb8;
	[tilespmem:$0x1D000] =	vst v63  }
0x175: {  	s1 =	rddreg [dreg:$0x19]  }
0x176: {  	[tilespmem:s22], [sflag:$0x1] =	stream.indirect.gather [hbm4b:s5+s25], $0x80, s1, s25, $0xb8;
	[tilespmem:$0x1D000] =	vst v63  }
0x177: {  	s31 =	rddreg [dreg:$0x1a]  }
0x178: {  	[tilespmem:s23], [sflag:$0x1] =	stream.indirect.gather [hbm4b:s5+s25], $0x80, s31, s25, $0xb8;
	[tilespmem:$0x1D000] =	vst v63  }
0x179: {  	_ =	swait.ge [sflag:s24], $0x1900  }
0x17a: {  	[sflag:s24] =	ssyncset.done $0x0  }
0x17b: {  	[sflag:s24] =	ssyncadd.s32 $0xFFFFE700  }
0x17c: {  	_ =	swait.ge [sflag:s24], $0x1900  }
0x17d: {  	[sflag:s24] =	ssyncset.done $0x0  }
0x17e: {  	[sflag:s24] =	ssyncadd.s32 $0xFFFFE700  }
0x17f: {  	_ =	swait.ge [sflag:s24], $0x1900  }
0x180: {  	[sflag:s24] =	ssyncset.done $0x0  }
0x181: {  	[sflag:s24] =	ssyncadd.s32 $0xFFFFE700  }
0x182: {  	_ =	swait.ge [sflag:s24], $0x1900  }
0x183: {  	[sflag:s24] =	ssyncset.done $0x0  }
0x184: {  	[sflag:s24] =	ssyncadd.s32 $0xFFFFE700  }
0x185: {  	_ =	swait.ge [sflag:s24], $0x1900  }
0x186: {  	[sflag:s24] =	ssyncset.done $0x0  }
0x187: {  	[sflag:s24] =	ssyncadd.s32 $0xFFFFE700  }
0x188: {  	_ =	swait.ge [sflag:s24], $0x1900  }
0x189: {  	[sflag:s24] =	ssyncset.done $0x0  }
0x18a: {  	[sflag:s24] =	ssyncadd.s32 $0xFFFFE700  }
0x18b: {  	_ =	swait.ge [sflag:s24], $0x1900  }
0x18c: {  	[sflag:s24] =	ssyncset.done $0x0  }
0x18d: {  	[sflag:s24] =	ssyncadd.s32 $0xFFFFE700  }
0x18e: {  	_ =	swait.ge [sflag:s24], $0x1900  }
0x18f: {  	s1 =	sld [smem:$0x7F9]  }
0x190: {  	[sflag:s24] =	ssyncset.done $0x0  }
0x191: {  	[sflag:s24] =	ssyncadd.s32 $0xFFFFE700  }
0x192: {  	[hbm4b:s1+s2] =	stream.linear.scatter [tilespmem:s6], [sflag:$0x4], $0x1900, $0x38;
	[tilespmem:$0x1D000] =	vst v63  }
0x193: {  	s1 =	sld [smem:$0x7E6];
	_ =	sdelay $0x2  }
0x194: {  	[hbm4b:s1+s2] =	stream.linear.scatter [tilespmem:s7], [sflag:$0x4], $0x1900, $0x38;
	[tilespmem:$0x1D000] =	vst v63  }
0x195: {  	s1 =	sld [smem:$0x7E7];
	_ =	sdelay $0x2  }
0x196: {  	[hbm4b:s1+s2] =	stream.linear.scatter [tilespmem:s8], [sflag:$0x4], $0x1900, $0x38;
	[tilespmem:$0x1D000] =	vst v63  }
0x197: {  	s1 =	sld [smem:$0x7E8];
	_ =	sdelay $0x2  }
0x198: {  	[hbm4b:s1+s2] =	stream.linear.scatter [tilespmem:s9], [sflag:$0x4], $0x1900, $0x38;
	[tilespmem:$0x1D000] =	vst v63  }
0x199: {  	s1 =	sld [smem:$0x7E9];
	_ =	sdelay $0x2  }
0x19a: {  	[hbm4b:s1+s2] =	stream.linear.scatter [tilespmem:s11], [sflag:$0x4], $0x1900, $0x38;
	[tilespmem:$0x1D000] =	vst v63  }
0x19b: {  	s1 =	sld [smem:$0x7EA];
	_ =	sdelay $0x2  }
0x19c: {  	[hbm4b:s1+s2] =	stream.linear.scatter [tilespmem:s12], [sflag:$0x4], $0x1900, $0x38;
	[tilespmem:$0x1D000] =	vst v63  }
0x19d: {  	s1 =	sld [smem:$0x7EB];
	_ =	sdelay $0x2  }
0x19e: {  	[hbm4b:s1+s2] =	stream.linear.scatter [tilespmem:s13], [sflag:$0x4], $0x1900, $0x38;
	[tilespmem:$0x1D000] =	vst v63  }
0x19f: {  	s1 =	sld [smem:$0x7EC];
	_ =	sdelay $0x2  }
0x1a0: {  	[hbm4b:s1+s2] =	stream.linear.scatter [tilespmem:s14], [sflag:$0x4], $0x1900, $0x38;
	[tilespmem:$0x1D000] =	vst v63  }
0x1a1: {  	_ =	swait.ge [sflag:s15], $0xC800  }
0x1a2: {  	s1 =	rddreg [dreg:$0x1b];
	[sflag:s15] =	ssyncset.done $0x0  }
0x1a3: {  	s31 =	rddreg [dreg:$0x1c];
	[sflag:s15] =	ssyncadd.s32 $0xFFFF3800  }
0x1a4: {  	[tilespmem:s6], [sflag:$0x2] =	stream.indirect.gather [hbm4b:s5+s25], $0x80, s1, s25, $0xb8;
	[tilespmem:$0x1D000] =	vst v63  }
0x1a5: {  	s1 =	rddreg [dreg:$0x1d]  }
0x1a6: {  	[tilespmem:s7], [sflag:$0x2] =	stream.indirect.gather [hbm4b:s5+s25], $0x80, s31, s25, $0xb8;
	[tilespmem:$0x1D000] =	vst v63  }
0x1a7: {  	s31 =	rddreg [dreg:$0x1e]  }
0x1a8: {  	[tilespmem:s8], [sflag:$0x2] =	stream.indirect.gather [hbm4b:s5+s25], $0x80, s1, s25, $0xb8;
	[tilespmem:$0x1D000] =	vst v63  }
0x1a9: {  	s1 =	rddreg [dreg:$0x1f]  }
0x1aa: {  	[tilespmem:s9], [sflag:$0x2] =	stream.indirect.gather [hbm4b:s5+s25], $0x80, s31, s25, $0xb8;
	[tilespmem:$0x1D000] =	vst v63  }
0x1ab: {  	s31 =	sld [smem:$0x7FB]  }
0x1ac: {  	[tilespmem:s11], [sflag:$0x2] =	stream.indirect.gather [hbm4b:s5+s25], $0x80, s1, s25, $0xb8;
	[tilespmem:$0x1D000] =	vst v63  }
0x1ad: {  	s1 =	sld [smem:$0x7FC]  }
0x1ae: {  	[tilespmem:s12], [sflag:$0x2] =	stream.indirect.gather [hbm4b:s5+s25], $0x80, s31, s25, $0xb8;
	[tilespmem:$0x1D000] =	vst v63  }
0x1af: {  	s31 =	sld [smem:$0x7FD]  }
0x1b0: {  	[tilespmem:s13], [sflag:$0x2] =	stream.indirect.gather [hbm4b:s5+s25], $0x80, s1, s25, $0xb8;
	[tilespmem:$0x1D000] =	vst v63  }
0x1b1: {  	_ = 	snop  }
0x1b2: {  	[tilespmem:s14], [sflag:$0x2] =	stream.indirect.gather [hbm4b:s5+s25], $0x80, s31, s25, $0xb8;
	[tilespmem:$0x1D000] =	vst v63  }
0x1b3: {  	_ =	swait.ge [sflag:s28], $0x1900  }
0x1b4: {  	[sflag:s28] =	ssyncset.done $0x0  }
0x1b5: {  	[sflag:s28] =	ssyncadd.s32 $0xFFFFE700  }
0x1b6: {  	_ =	swait.ge [sflag:s28], $0x1900  }
0x1b7: {  	[sflag:s28] =	ssyncset.done $0x0  }
0x1b8: {  	[sflag:s28] =	ssyncadd.s32 $0xFFFFE700  }
0x1b9: {  	_ =	swait.ge [sflag:s28], $0x1900  }
0x1ba: {  	[sflag:s28] =	ssyncset.done $0x0  }
0x1bb: {  	[sflag:s28] =	ssyncadd.s32 $0xFFFFE700  }
0x1bc: {  	_ =	swait.ge [sflag:s28], $0x1900  }
0x1bd: {  	[sflag:s28] =	ssyncset.done $0x0  }
0x1be: {  	[sflag:s28] =	ssyncadd.s32 $0xFFFFE700  }
0x1bf: {  	_ =	swait.ge [sflag:s28], $0x1900  }
0x1c0: {  	[sflag:s28] =	ssyncset.done $0x0  }
0x1c1: {  	[sflag:s28] =	ssyncadd.s32 $0xFFFFE700  }
0x1c2: {  	_ =	swait.ge [sflag:s28], $0x1900  }
0x1c3: {  	[sflag:s28] =	ssyncset.done $0x0  }
0x1c4: {  	[sflag:s28] =	ssyncadd.s32 $0xFFFFE700  }
0x1c5: {  	_ =	swait.ge [sflag:s28], $0x1900  }
0x1c6: {  	[sflag:s28] =	ssyncset.done $0x0  }
0x1c7: {  	[sflag:s28] =	ssyncadd.s32 $0xFFFFE700  }
0x1c8: {  	_ =	swait.ge [sflag:s28], $0x1900  }
0x1c9: {  	s1 =	sld [smem:$0x7FA]  }
0x1ca: {  	[sflag:s28] =	ssyncset.done $0x0  }
0x1cb: {  	[sflag:s28] =	ssyncadd.s32 $0xFFFFE700  }
0x1cc: {  	[hbm4b:s1+s2] =	stream.linear.scatter [tilespmem:s16], [sflag:$0x3], $0x1900, $0x38;
	[tilespmem:$0x1D000] =	vst v63  }
0x1cd: {  	s1 =	sld [smem:$0x7ED];
	_ =	sdelay $0x2  }
0x1ce: {  	[hbm4b:s1+s2] =	stream.linear.scatter [tilespmem:s17], [sflag:$0x3], $0x1900, $0x38;
	[tilespmem:$0x1D000] =	vst v63  }
0x1cf: {  	s1 =	sld [smem:$0x7EE];
	_ =	sdelay $0x2  }
0x1d0: {  	[hbm4b:s1+s2] =	stream.linear.scatter [tilespmem:s18], [sflag:$0x3], $0x1900, $0x38;
	[tilespmem:$0x1D000] =	vst v63  }
0x1d1: {  	s1 =	sld [smem:$0x7EF];
	_ =	sdelay $0x2  }
0x1d2: {  	[hbm4b:s1+s2] =	stream.linear.scatter [tilespmem:s19], [sflag:$0x3], $0x1900, $0x38;
	[tilespmem:$0x1D000] =	vst v63  }
0x1d3: {  	s1 =	sld [smem:$0x7F0];
	_ =	sdelay $0x2  }
0x1d4: {  	[hbm4b:s1+s2] =	stream.linear.scatter [tilespmem:s20], [sflag:$0x3], $0x1900, $0x38;
	[tilespmem:$0x1D000] =	vst v63  }
0x1d5: {  	s1 =	sld [smem:$0x7F1];
	_ =	sdelay $0x2  }
0x1d6: {  	[hbm4b:s1+s2] =	stream.linear.scatter [tilespmem:s21], [sflag:$0x3], $0x1900, $0x38;
	[tilespmem:$0x1D000] =	vst v63  }
0x1d7: {  	s1 =	sld [smem:$0x7F2];
	_ =	sdelay $0x2  }
0x1d8: {  	[hbm4b:s1+s2] =	stream.linear.scatter [tilespmem:s22], [sflag:$0x3], $0x1900, $0x38;
	[tilespmem:$0x1D000] =	vst v63  }
0x1d9: {  	s1 =	sld [smem:$0x7F3];
	_ =	sdelay $0x2  }
0x1da: {  	[hbm4b:s1+s2] =	stream.linear.scatter [tilespmem:s23], [sflag:$0x3], $0x1900, $0x38;
	[tilespmem:$0x1D000] =	vst v63  }
0x1db: {  	_ =	swait.ge [sflag:s24], $0x1900  }
0x1dc: {  	[sflag:s24] =	ssyncset.done $0x0  }
0x1dd: {  	[sflag:s24] =	ssyncadd.s32 $0xFFFFE700  }
0x1de: {  	_ =	swait.ge [sflag:s24], $0x1900  }
0x1df: {  	[sflag:s24] =	ssyncset.done $0x0  }
0x1e0: {  	[sflag:s24] =	ssyncadd.s32 $0xFFFFE700  }
0x1e1: {  	_ =	swait.ge [sflag:s24], $0x1900  }
0x1e2: {  	[sflag:s24] =	ssyncset.done $0x0  }
0x1e3: {  	[sflag:s24] =	ssyncadd.s32 $0xFFFFE700  }
0x1e4: {  	_ =	swait.ge [sflag:s24], $0x1900  }
0x1e5: {  	[sflag:s24] =	ssyncset.done $0x0  }
0x1e6: {  	[sflag:s24] =	ssyncadd.s32 $0xFFFFE700  }
0x1e7: {  	_ =	swait.ge [sflag:s24], $0x1900  }
0x1e8: {  	[sflag:s24] =	ssyncset.done $0x0  }
0x1e9: {  	[sflag:s24] =	ssyncadd.s32 $0xFFFFE700  }
0x1ea: {  	_ =	swait.ge [sflag:s24], $0x1900  }
0x1eb: {  	[sflag:s24] =	ssyncset.done $0x0  }
0x1ec: {  	[sflag:s24] =	ssyncadd.s32 $0xFFFFE700  }
0x1ed: {  	_ =	swait.ge [sflag:s24], $0x1900  }
0x1ee: {  	[sflag:s24] =	ssyncset.done $0x0  }
0x1ef: {  	[sflag:s24] =	ssyncadd.s32 $0xFFFFE700  }
0x1f0: {  	_ =	swait.ge [sflag:s24], $0x1900  }
0x1f1: {  	s1 =	sld [smem:$0x7F7]  }
0x1f2: {  	[sflag:s24] =	ssyncset.done $0x0  }
0x1f3: {  	[sflag:s24] =	ssyncadd.s32 $0xFFFFE700  }
0x1f4: {  	[hbm4b:s1+s2] =	stream.linear.scatter [tilespmem:s6], [sflag:$0x4], $0x1900, $0x38;
	[tilespmem:$0x1D000] =	vst v63  }
0x1f5: {  	s1 =	sld [smem:$0x7F4];
	_ =	sdelay $0x2  }
0x1f6: {  	[hbm4b:s1+s2] =	stream.linear.scatter [tilespmem:s7], [sflag:$0x4], $0x1900, $0x38;
	[tilespmem:$0x1D000] =	vst v63  }
0x1f7: {  	s1 =	sld [smem:$0x7F5];
	_ =	sdelay $0x2  }
0x1f8: {  	[hbm4b:s1+s2] =	stream.linear.scatter [tilespmem:s8], [sflag:$0x4], $0x1900, $0x38;
	[tilespmem:$0x1D000] =	vst v63  }
0x1f9: {  	s1 =	sld [smem:$0x7F6];
	_ =	sdelay $0x2  }
0x1fa: {  	[hbm4b:s1+s2] =	stream.linear.scatter [tilespmem:s9], [sflag:$0x4], $0x1900, $0x38;
	[tilespmem:$0x1D000] =	vst v63  }
0x1fb: {  	_ = 	snop  }
0x1fc: {  	[hbm4b:s26+s2] =	stream.linear.scatter [tilespmem:s11], [sflag:$0x4], $0x1900, $0x38;
	[tilespmem:$0x1D000] =	vst v63  }
0x1fd: {  	_ = 	snop  }
0x1fe: {  	[hbm4b:s0+s2] =	stream.linear.scatter [tilespmem:s12], [sflag:$0x4], $0x1900, $0x38;
	[tilespmem:$0x1D000] =	vst v63  }
0x1ff: {  	_ = 	snop  }
0x200: {  	[hbm4b:s4+s2] =	stream.linear.scatter [tilespmem:s13], [sflag:$0x4], $0x1900, $0x38;
	[tilespmem:$0x1D000] =	vst v63  }
0x201: {  	p1 =	sne.s32 s30, $0x1  }
0x202: {  	[hbm4b:s29+s2] =	stream.linear.scatter [tilespmem:s14], [sflag:$0x4], $0x1900, $0x38;
	[tilespmem:$0x1D000] =	vst v63  }
.Ltmp2:
0x203: {  	_ =	swait.ge [sflag:s15], $0xC800;
	(pc) =	sbr.rel @p1 .LBB2_4-.Ltmp2, $4  }
0x204: {  	[sflag:s15] =	ssyncset.done $0x0  }
0x205: {  	[sflag:s15] =	ssyncadd.s32 $0xFFFF3800  }
0x206: {  	_ =	swait.ge [sflag:s10], $0xC800  }
0x207: {  	s30 =	sadd.s32 $0xFFFFFFFF, s30;
	s31 =	rddreg [dreg:$0x3];
	[sflag:s10] =	ssyncset.done $0x0  }
0x208: {  	s26 =	sld [smem:$0x7F8]  }
0x209: {  	s30 =	sld [smem:$0x7F9]  }
0x20a: {  	s3 =	sld [smem:$0x7FA]  }
0x20b: {  	s4 =	stileid.u32;
	s29 =	sld [smem:$0x7F7]  }
.LBB2_6:
0x20c: {  	[sflag:s10] =	ssyncadd.s32 @p0 $0xFFFF3800;
	s0 =	simm.s32 $0x5  }
0x20d: {  	[tilespmem:s2], [sflag:$0x5] =	stream.linear.gather [hbm4b:s31+s2], $0x1000, $0x38;
	[tilespmem:$0x1D000] =	vst v63  }
0x20e: {  	_ =	swait.ge [sflag:s0], $0x1000  }
0x20f: {  	[sflag:s0] =	ssyncset.done $0x0  }
0x210: {  	[sflag:s0] =	ssyncadd.s32 $0xFFFFF000  }
0x211: {  	[tilespmem:s16], [sflag:$0x1] =	stream.indirect.gather [hbm4b:s5+s25], $0x80, s2, s25, $0xb8;
	[tilespmem:$0x1D000] =	vst v63  }
0x212: {  	s31 =	rddreg [dreg:$0x4]  }
0x213: {  	[tilespmem:s17], [sflag:$0x1] =	stream.indirect.gather [hbm4b:s5+s25], $0x80, s31, s25, $0xb8;
	[tilespmem:$0x1D000] =	vst v63  }
0x214: {  	s1 =	rddreg [dreg:$0x5]  }
0x215: {  	[tilespmem:s18], [sflag:$0x1] =	stream.indirect.gather [hbm4b:s5+s25], $0x80, s1, s25, $0xb8;
	[tilespmem:$0x1D000] =	vst v63  }
0x216: {  	s31 =	rddreg [dreg:$0x6]  }
0x217: {  	[tilespmem:s19], [sflag:$0x1] =	stream.indirect.gather [hbm4b:s5+s25], $0x80, s31, s25, $0xb8;
	[tilespmem:$0x1D000] =	vst v63  }
0x218: {  	s1 =	rddreg [dreg:$0x7]  }
0x219: {  	[tilespmem:s20], [sflag:$0x1] =	stream.indirect.gather [hbm4b:s5+s25], $0x80, s1, s25, $0xb8;
	[tilespmem:$0x1D000] =	vst v63  }
0x21a: {  	s31 =	rddreg [dreg:$0x8]  }
0x21b: {  	[tilespmem:s21], [sflag:$0x1] =	stream.indirect.gather [hbm4b:s5+s25], $0x80, s31, s25, $0xb8;
	[tilespmem:$0x1D000] =	vst v63  }
0x21c: {  	s1 =	rddreg [dreg:$0x9]  }
0x21d: {  	[tilespmem:s22], [sflag:$0x1] =	stream.indirect.gather [hbm4b:s5+s25], $0x80, s1, s25, $0xb8;
	[tilespmem:$0x1D000] =	vst v63  }
0x21e: {  	s31 =	rddreg [dreg:$0xa]  }
0x21f: {  	[tilespmem:s23], [sflag:$0x1] =	stream.indirect.gather [hbm4b:s5+s25], $0x80, s31, s25, $0xb8;
	[tilespmem:$0x1D000] =	vst v63  }
0x220: {  	s1 =	rddreg [dreg:$0xb]  }
0x221: {  	[tilespmem:s6], [sflag:$0x2] =	stream.indirect.gather [hbm4b:s5+s25], $0x80, s1, s25, $0xb8;
	[tilespmem:$0x1D000] =	vst v63  }
0x222: {  	s31 =	rddreg [dreg:$0xc]  }
0x223: {  	[tilespmem:s7], [sflag:$0x2] =	stream.indirect.gather [hbm4b:s5+s25], $0x80, s31, s25, $0xb8;
	[tilespmem:$0x1D000] =	vst v63  }
0x224: {  	s1 =	rddreg [dreg:$0xd]  }
0x225: {  	[tilespmem:s8], [sflag:$0x2] =	stream.indirect.gather [hbm4b:s5+s25], $0x80, s1, s25, $0xb8;
	[tilespmem:$0x1D000] =	vst v63  }
0x226: {  	s31 =	rddreg [dreg:$0xe]  }
0x227: {  	[tilespmem:s9], [sflag:$0x2] =	stream.indirect.gather [hbm4b:s5+s25], $0x80, s31, s25, $0xb8;
	[tilespmem:$0x1D000] =	vst v63  }
0x228: {  	s1 =	rddreg [dreg:$0xf]  }
0x229: {  	[tilespmem:s11], [sflag:$0x2] =	stream.indirect.gather [hbm4b:s5+s25], $0x80, s1, s25, $0xb8;
	[tilespmem:$0x1D000] =	vst v63  }
0x22a: {  	s31 =	rddreg [dreg:$0x10]  }
0x22b: {  	[tilespmem:s12], [sflag:$0x2] =	stream.indirect.gather [hbm4b:s5+s25], $0x80, s31, s25, $0xb8;
	[tilespmem:$0x1D000] =	vst v63  }
0x22c: {  	s1 =	rddreg [dreg:$0x11]  }
0x22d: {  	[tilespmem:s13], [sflag:$0x2] =	stream.indirect.gather [hbm4b:s5+s25], $0x80, s1, s25, $0xb8;
	[tilespmem:$0x1D000] =	vst v63  }
0x22e: {  	s31 =	rddreg [dreg:$0x12]  }
0x22f: {  	[tilespmem:s14], [sflag:$0x2] =	stream.indirect.gather [hbm4b:s5+s25], $0x80, s31, s25, $0xb8;
	[tilespmem:$0x1D000] =	vst v63  }
0x230: {  	_ =	swait.ge [sflag:s28], $0x1900  }
0x231: {  	[sflag:s28] =	ssyncset.done $0x0  }
0x232: {  	[sflag:s28] =	ssyncadd.s32 $0xFFFFE700  }
0x233: {  	_ =	swait.ge [sflag:s28], $0x1900  }
0x234: {  	[sflag:s28] =	ssyncset.done $0x0  }
0x235: {  	[sflag:s28] =	ssyncadd.s32 $0xFFFFE700  }
0x236: {  	_ =	swait.ge [sflag:s28], $0x1900  }
0x237: {  	[sflag:s28] =	ssyncset.done $0x0  }
0x238: {  	[sflag:s28] =	ssyncadd.s32 $0xFFFFE700  }
0x239: {  	_ =	swait.ge [sflag:s28], $0x1900  }
0x23a: {  	[sflag:s28] =	ssyncset.done $0x0  }
0x23b: {  	[sflag:s28] =	ssyncadd.s32 $0xFFFFE700  }
0x23c: {  	_ =	swait.ge [sflag:s28], $0x1900  }
0x23d: {  	[sflag:s28] =	ssyncset.done $0x0  }
0x23e: {  	[sflag:s28] =	ssyncadd.s32 $0xFFFFE700  }
0x23f: {  	_ =	swait.ge [sflag:s28], $0x1900  }
0x240: {  	[sflag:s28] =	ssyncset.done $0x0  }
0x241: {  	[sflag:s28] =	ssyncadd.s32 $0xFFFFE700  }
0x242: {  	_ =	swait.ge [sflag:s28], $0x1900  }
0x243: {  	[sflag:s28] =	ssyncset.done $0x0  }
0x244: {  	[sflag:s28] =	ssyncadd.s32 $0xFFFFE700  }
0x245: {  	_ =	swait.ge [sflag:s28], $0x1900  }
0x246: {  	[sflag:s28] =	ssyncset.done $0x0  }
0x247: {  	[sflag:s28] =	ssyncadd.s32 $0xFFFFE700  }
0x248: {  	[hbm4b:s26+s2] =	stream.linear.scatter [tilespmem:s16], [sflag:$0x3], $0x1900, $0x38;
	[tilespmem:$0x1D000] =	vst v63  }
0x249: {  	s1 =	sadd.s32 $0x380, s26  }
0x24a: {  	[hbm4b:s1+s2] =	stream.linear.scatter [tilespmem:s17], [sflag:$0x3], $0x1900, $0x38;
	[tilespmem:$0x1D000] =	vst v63  }
0x24b: {  	s31 =	sadd.s32 $0x700, s26  }
0x24c: {  	[hbm4b:s31+s2] =	stream.linear.scatter [tilespmem:s18], [sflag:$0x3], $0x1900, $0x38;
	[tilespmem:$0x1D000] =	vst v63  }
0x24d: {  	s1 =	sadd.s32 $0xA80, s26  }
0x24e: {  	[hbm4b:s1+s2] =	stream.linear.scatter [tilespmem:s19], [sflag:$0x3], $0x1900, $0x38;
	[tilespmem:$0x1D000] =	vst v63  }
0x24f: {  	s31 =	sadd.s32 $0xE00, s26  }
0x250: {  	[hbm4b:s31+s2] =	stream.linear.scatter [tilespmem:s20], [sflag:$0x3], $0x1900, $0x38;
	[tilespmem:$0x1D000] =	vst v63  }
0x251: {  	s1 =	sadd.s32 $0x1180, s26  }
0x252: {  	[hbm4b:s1+s2] =	stream.linear.scatter [tilespmem:s21], [sflag:$0x3], $0x1900, $0x38;
	[tilespmem:$0x1D000] =	vst v63  }
0x253: {  	s31 =	sadd.s32 $0x1500, s26  }
0x254: {  	[hbm4b:s31+s2] =	stream.linear.scatter [tilespmem:s22], [sflag:$0x3], $0x1900, $0x38;
	[tilespmem:$0x1D000] =	vst v63  }
0x255: {  	s1 =	sadd.s32 $0x1880, s26  }
0x256: {  	[hbm4b:s1+s2] =	stream.linear.scatter [tilespmem:s23], [sflag:$0x3], $0x1900, $0x38;
	[tilespmem:$0x1D000] =	vst v63  }
0x257: {  	_ =	swait.ge [sflag:s10], $0xC800  }
0x258: {  	[sflag:s10] =	ssyncset.done $0x0  }
0x259: {  	s26 =	rddreg [dreg:$0x13];
	[sflag:s10] =	ssyncadd.s32 $0xFFFF3800  }
0x25a: {  	[tilespmem:s16], [sflag:$0x1] =	stream.indirect.gather [hbm4b:s5+s25], $0x80, s26, s25, $0xb8;
	[tilespmem:$0x1D000] =	vst v63  }
0x25b: {  	s31 =	rddreg [dreg:$0x14]  }
0x25c: {  	[tilespmem:s17], [sflag:$0x1] =	stream.indirect.gather [hbm4b:s5+s25], $0x80, s31, s25, $0xb8;
	[tilespmem:$0x1D000] =	vst v63  }
0x25d: {  	s26 =	rddreg [dreg:$0x15]  }
0x25e: {  	[tilespmem:s18], [sflag:$0x1] =	stream.indirect.gather [hbm4b:s5+s25], $0x80, s26, s25, $0xb8;
	[tilespmem:$0x1D000] =	vst v63  }
0x25f: {  	s31 =	rddreg [dreg:$0x16]  }
0x260: {  	[tilespmem:s19], [sflag:$0x1] =	stream.indirect.gather [hbm4b:s5+s25], $0x80, s31, s25, $0xb8;
	[tilespmem:$0x1D000] =	vst v63  }
0x261: {  	s26 =	rddreg [dreg:$0x17]  }
0x262: {  	[tilespmem:s20], [sflag:$0x1] =	stream.indirect.gather [hbm4b:s5+s25], $0x80, s26, s25, $0xb8;
	[tilespmem:$0x1D000] =	vst v63  }
0x263: {  	s31 =	rddreg [dreg:$0x18]  }
0x264: {  	[tilespmem:s21], [sflag:$0x1] =	stream.indirect.gather [hbm4b:s5+s25], $0x80, s31, s25, $0xb8;
	[tilespmem:$0x1D000] =	vst v63  }
0x265: {  	s26 =	rddreg [dreg:$0x19]  }
0x266: {  	[tilespmem:s22], [sflag:$0x1] =	stream.indirect.gather [hbm4b:s5+s25], $0x80, s26, s25, $0xb8;
	[tilespmem:$0x1D000] =	vst v63  }
0x267: {  	s31 =	rddreg [dreg:$0x1a]  }
0x268: {  	[tilespmem:s23], [sflag:$0x1] =	stream.indirect.gather [hbm4b:s5+s25], $0x80, s31, s25, $0xb8;
	[tilespmem:$0x1D000] =	vst v63  }
0x269: {  	_ =	swait.ge [sflag:s24], $0x1900  }
0x26a: {  	[sflag:s24] =	ssyncset.done $0x0  }
0x26b: {  	[sflag:s24] =	ssyncadd.s32 $0xFFFFE700  }
0x26c: {  	_ =	swait.ge [sflag:s24], $0x1900  }
0x26d: {  	[sflag:s24] =	ssyncset.done $0x0  }
0x26e: {  	[sflag:s24] =	ssyncadd.s32 $0xFFFFE700  }
0x26f: {  	_ =	swait.ge [sflag:s24], $0x1900  }
0x270: {  	[sflag:s24] =	ssyncset.done $0x0  }
0x271: {  	[sflag:s24] =	ssyncadd.s32 $0xFFFFE700  }
0x272: {  	_ =	swait.ge [sflag:s24], $0x1900  }
0x273: {  	[sflag:s24] =	ssyncset.done $0x0  }
0x274: {  	[sflag:s24] =	ssyncadd.s32 $0xFFFFE700  }
0x275: {  	_ =	swait.ge [sflag:s24], $0x1900  }
0x276: {  	[sflag:s24] =	ssyncset.done $0x0  }
0x277: {  	[sflag:s24] =	ssyncadd.s32 $0xFFFFE700  }
0x278: {  	_ =	swait.ge [sflag:s24], $0x1900  }
0x279: {  	[sflag:s24] =	ssyncset.done $0x0  }
0x27a: {  	[sflag:s24] =	ssyncadd.s32 $0xFFFFE700  }
0x27b: {  	_ =	swait.ge [sflag:s24], $0x1900  }
0x27c: {  	[sflag:s24] =	ssyncset.done $0x0  }
0x27d: {  	[sflag:s24] =	ssyncadd.s32 $0xFFFFE700  }
0x27e: {  	_ =	swait.ge [sflag:s24], $0x1900  }
0x27f: {  	[sflag:s24] =	ssyncset.done $0x0  }
0x280: {  	[sflag:s24] =	ssyncadd.s32 $0xFFFFE700  }
0x281: {  	[hbm4b:s30+s2] =	stream.linear.scatter [tilespmem:s6], [sflag:$0x4], $0x1900, $0x38;
	[tilespmem:$0x1D000] =	vst v63  }
0x282: {  	s26 =	sadd.s32 $0x380, s30  }
0x283: {  	[hbm4b:s26+s2] =	stream.linear.scatter [tilespmem:s7], [sflag:$0x4], $0x1900, $0x38;
	[tilespmem:$0x1D000] =	vst v63  }
0x284: {  	s31 =	sadd.s32 $0x700, s30  }
0x285: {  	[hbm4b:s31+s2] =	stream.linear.scatter [tilespmem:s8], [sflag:$0x4], $0x1900, $0x38;
	[tilespmem:$0x1D000] =	vst v63  }
0x286: {  	s1 =	sadd.s32 $0xA80, s30  }
0x287: {  	[hbm4b:s1+s2] =	stream.linear.scatter [tilespmem:s9], [sflag:$0x4], $0x1900, $0x38;
	[tilespmem:$0x1D000] =	vst v63  }
0x288: {  	s26 =	sadd.s32 $0xE00, s30  }
0x289: {  	[hbm4b:s26+s2] =	stream.linear.scatter [tilespmem:s11], [sflag:$0x4], $0x1900, $0x38;
	[tilespmem:$0x1D000] =	vst v63  }
0x28a: {  	s31 =	sadd.s32 $0x1180, s30  }
0x28b: {  	[hbm4b:s31+s2] =	stream.linear.scatter [tilespmem:s12], [sflag:$0x4], $0x1900, $0x38;
	[tilespmem:$0x1D000] =	vst v63  }
0x28c: {  	s1 =	sadd.s32 $0x1500, s30  }
0x28d: {  	[hbm4b:s1+s2] =	stream.linear.scatter [tilespmem:s13], [sflag:$0x4], $0x1900, $0x38;
	[tilespmem:$0x1D000] =	vst v63  }
0x28e: {  	s26 =	sadd.s32 $0x1880, s30  }
0x28f: {  	[hbm4b:s26+s2] =	stream.linear.scatter [tilespmem:s14], [sflag:$0x4], $0x1900, $0x38;
	[tilespmem:$0x1D000] =	vst v63  }
0x290: {  	_ =	swait.ge [sflag:s15], $0xC800  }
0x291: {  	s30 =	rddreg [dreg:$0x1b];
	[sflag:s15] =	ssyncset.done $0x0  }
0x292: {  	s31 =	rddreg [dreg:$0x1c];
	[sflag:s15] =	ssyncadd.s32 $0xFFFF3800  }
0x293: {  	[tilespmem:s6], [sflag:$0x2] =	stream.indirect.gather [hbm4b:s5+s25], $0x80, s30, s25, $0xb8;
	[tilespmem:$0x1D000] =	vst v63  }
0x294: {  	s26 =	rddreg [dreg:$0x1d]  }
0x295: {  	[tilespmem:s7], [sflag:$0x2] =	stream.indirect.gather [hbm4b:s5+s25], $0x80, s31, s25, $0xb8;
	[tilespmem:$0x1D000] =	vst v63  }
0x296: {  	s30 =	rddreg [dreg:$0x1e]  }
0x297: {  	[tilespmem:s8], [sflag:$0x2] =	stream.indirect.gather [hbm4b:s5+s25], $0x80, s26, s25, $0xb8;
	[tilespmem:$0x1D000] =	vst v63  }
0x298: {  	s31 =	rddreg [dreg:$0x1f]  }
0x299: {  	[tilespmem:s9], [sflag:$0x2] =	stream.indirect.gather [hbm4b:s5+s25], $0x80, s30, s25, $0xb8;
	[tilespmem:$0x1D000] =	vst v63  }
0x29a: {  	s26 =	sld [smem:$0x7FB]  }
0x29b: {  	[tilespmem:s11], [sflag:$0x2] =	stream.indirect.gather [hbm4b:s5+s25], $0x80, s31, s25, $0xb8;
	[tilespmem:$0x1D000] =	vst v63  }
0x29c: {  	s30 =	sld [smem:$0x7FC]  }
0x29d: {  	[tilespmem:s12], [sflag:$0x2] =	stream.indirect.gather [hbm4b:s5+s25], $0x80, s26, s25, $0xb8;
	[tilespmem:$0x1D000] =	vst v63  }
0x29e: {  	s31 =	sld [smem:$0x7FD]  }
0x29f: {  	[tilespmem:s13], [sflag:$0x2] =	stream.indirect.gather [hbm4b:s5+s25], $0x80, s30, s25, $0xb8;
	[tilespmem:$0x1D000] =	vst v63  }
0x2a0: {  	_ = 	snop  }
0x2a1: {  	[tilespmem:s14], [sflag:$0x2] =	stream.indirect.gather [hbm4b:s5+s25], $0x80, s31, s25, $0xb8;
	[tilespmem:$0x1D000] =	vst v63  }
0x2a2: {  	_ =	swait.ge [sflag:s28], $0x1900  }
0x2a3: {  	[sflag:s28] =	ssyncset.done $0x0  }
0x2a4: {  	[sflag:s28] =	ssyncadd.s32 $0xFFFFE700  }
0x2a5: {  	_ =	swait.ge [sflag:s28], $0x1900  }
0x2a6: {  	[sflag:s28] =	ssyncset.done $0x0  }
0x2a7: {  	[sflag:s28] =	ssyncadd.s32 $0xFFFFE700  }
0x2a8: {  	_ =	swait.ge [sflag:s28], $0x1900  }
0x2a9: {  	[sflag:s28] =	ssyncset.done $0x0  }
0x2aa: {  	[sflag:s28] =	ssyncadd.s32 $0xFFFFE700  }
0x2ab: {  	_ =	swait.ge [sflag:s28], $0x1900  }
0x2ac: {  	[sflag:s28] =	ssyncset.done $0x0  }
0x2ad: {  	[sflag:s28] =	ssyncadd.s32 $0xFFFFE700  }
0x2ae: {  	_ =	swait.ge [sflag:s28], $0x1900  }
0x2af: {  	[sflag:s28] =	ssyncset.done $0x0  }
0x2b0: {  	[sflag:s28] =	ssyncadd.s32 $0xFFFFE700  }
0x2b1: {  	_ =	swait.ge [sflag:s28], $0x1900  }
0x2b2: {  	[sflag:s28] =	ssyncset.done $0x0  }
0x2b3: {  	[sflag:s28] =	ssyncadd.s32 $0xFFFFE700  }
0x2b4: {  	_ =	swait.ge [sflag:s28], $0x1900  }
0x2b5: {  	[sflag:s28] =	ssyncset.done $0x0  }
0x2b6: {  	[sflag:s28] =	ssyncadd.s32 $0xFFFFE700  }
0x2b7: {  	_ =	swait.ge [sflag:s28], $0x1900  }
0x2b8: {  	[sflag:s28] =	ssyncset.done $0x0  }
0x2b9: {  	[sflag:s28] =	ssyncadd.s32 $0xFFFFE700  }
0x2ba: {  	[hbm4b:s3+s2] =	stream.linear.scatter [tilespmem:s16], [sflag:$0x3], $0x1900, $0x38;
	[tilespmem:$0x1D000] =	vst v63  }
0x2bb: {  	s16 =	sadd.s32 $0x380, s3  }
0x2bc: {  	[hbm4b:s16+s2] =	stream.linear.scatter [tilespmem:s17], [sflag:$0x3], $0x1900, $0x38;
	[tilespmem:$0x1D000] =	vst v63  }
0x2bd: {  	s17 =	sadd.s32 $0x700, s3  }
0x2be: {  	[hbm4b:s17+s2] =	stream.linear.scatter [tilespmem:s18], [sflag:$0x3], $0x1900, $0x38;
	[tilespmem:$0x1D000] =	vst v63  }
0x2bf: {  	s18 =	sadd.s32 $0xA80, s3  }
0x2c0: {  	[hbm4b:s18+s2] =	stream.linear.scatter [tilespmem:s19], [sflag:$0x3], $0x1900, $0x38;
	[tilespmem:$0x1D000] =	vst v63  }
0x2c1: {  	s19 =	sadd.s32 $0xE00, s3  }
0x2c2: {  	[hbm4b:s19+s2] =	stream.linear.scatter [tilespmem:s20], [sflag:$0x3], $0x1900, $0x38;
	[tilespmem:$0x1D000] =	vst v63  }
0x2c3: {  	s20 =	sadd.s32 $0x1180, s3  }
0x2c4: {  	[hbm4b:s20+s2] =	stream.linear.scatter [tilespmem:s21], [sflag:$0x3], $0x1900, $0x38;
	[tilespmem:$0x1D000] =	vst v63  }
0x2c5: {  	s21 =	sadd.s32 $0x1500, s3  }
0x2c6: {  	[hbm4b:s21+s2] =	stream.linear.scatter [tilespmem:s22], [sflag:$0x3], $0x1900, $0x38;
	[tilespmem:$0x1D000] =	vst v63  }
0x2c7: {  	s22 =	sadd.s32 $0x1880, s3  }
0x2c8: {  	[hbm4b:s22+s2] =	stream.linear.scatter [tilespmem:s23], [sflag:$0x3], $0x1900, $0x38;
	[tilespmem:$0x1D000] =	vst v63  }
0x2c9: {  	_ =	swait.ge [sflag:s24], $0x1900  }
0x2ca: {  	[sflag:s24] =	ssyncset.done $0x0  }
0x2cb: {  	[sflag:s24] =	ssyncadd.s32 $0xFFFFE700  }
0x2cc: {  	_ =	swait.ge [sflag:s24], $0x1900  }
0x2cd: {  	[sflag:s24] =	ssyncset.done $0x0  }
0x2ce: {  	[sflag:s24] =	ssyncadd.s32 $0xFFFFE700  }
0x2cf: {  	_ =	swait.ge [sflag:s24], $0x1900  }
0x2d0: {  	[sflag:s24] =	ssyncset.done $0x0  }
0x2d1: {  	[sflag:s24] =	ssyncadd.s32 $0xFFFFE700  }
0x2d2: {  	_ =	swait.ge [sflag:s24], $0x1900  }
0x2d3: {  	[sflag:s24] =	ssyncset.done $0x0  }
0x2d4: {  	[sflag:s24] =	ssyncadd.s32 $0xFFFFE700  }
0x2d5: {  	_ =	swait.ge [sflag:s24], $0x1900  }
0x2d6: {  	[sflag:s24] =	ssyncset.done $0x0  }
0x2d7: {  	[sflag:s24] =	ssyncadd.s32 $0xFFFFE700  }
0x2d8: {  	_ =	swait.ge [sflag:s24], $0x1900  }
0x2d9: {  	[sflag:s24] =	ssyncset.done $0x0  }
0x2da: {  	[sflag:s24] =	ssyncadd.s32 $0xFFFFE700  }
0x2db: {  	_ =	swait.ge [sflag:s24], $0x1900  }
0x2dc: {  	[sflag:s24] =	ssyncset.done $0x0  }
0x2dd: {  	[sflag:s24] =	ssyncadd.s32 $0xFFFFE700  }
0x2de: {  	_ =	swait.ge [sflag:s24], $0x1900  }
0x2df: {  	[sflag:s24] =	ssyncset.done $0x0  }
0x2e0: {  	[sflag:s24] =	ssyncadd.s32 $0xFFFFE700  }
0x2e1: {  	[hbm4b:s29+s2] =	stream.linear.scatter [tilespmem:s6], [sflag:$0x4], $0x1900, $0x38;
	[tilespmem:$0x1D000] =	vst v63  }
0x2e2: {  	s23 =	sadd.s32 $0x380, s29  }
0x2e3: {  	[hbm4b:s23+s2] =	stream.linear.scatter [tilespmem:s7], [sflag:$0x4], $0x1900, $0x38;
	[tilespmem:$0x1D000] =	vst v63  }
0x2e4: {  	s24 =	sadd.s32 $0x700, s29  }
0x2e5: {  	[hbm4b:s24+s2] =	stream.linear.scatter [tilespmem:s8], [sflag:$0x4], $0x1900, $0x38;
	[tilespmem:$0x1D000] =	vst v63  }
0x2e6: {  	s25 =	sadd.s32 $0xA80, s29  }
0x2e7: {  	[hbm4b:s25+s2] =	stream.linear.scatter [tilespmem:s9], [sflag:$0x4], $0x1900, $0x38;
	[tilespmem:$0x1D000] =	vst v63  }
0x2e8: {  	s26 =	sadd.s32 $0xE00, s29  }
0x2e9: {  	[hbm4b:s26+s2] =	stream.linear.scatter [tilespmem:s11], [sflag:$0x4], $0x1900, $0x38;
	[tilespmem:$0x1D000] =	vst v63  }
0x2ea: {  	s28 =	sadd.s32 $0x1180, s29  }
0x2eb: {  	[hbm4b:s28+s2] =	stream.linear.scatter [tilespmem:s12], [sflag:$0x4], $0x1900, $0x38;
	[tilespmem:$0x1D000] =	vst v63  }
0x2ec: {  	s30 =	sadd.s32 $0x1500, s29  }
0x2ed: {  	[hbm4b:s30+s2] =	stream.linear.scatter [tilespmem:s13], [sflag:$0x4], $0x1900, $0x38;
	[tilespmem:$0x1D000] =	vst v63  }
0x2ee: {  	s31 =	sadd.s32 $0x1880, s29  }
0x2ef: {  	[hbm4b:s31+s2] =	stream.linear.scatter [tilespmem:s14], [sflag:$0x4], $0x1900, $0x38;
	[tilespmem:$0x1D000] =	vst v63  }
0x2f0: {  	_ =	swait.ge [sflag:s15], $0xC800  }
0x2f1: {  	[sflag:s15] =	ssyncset.done $0x0  }
0x2f2: {  	[sflag:s15] =	ssyncadd.s32 $0xFFFF3800  }
0x2f3: {  	_ =	swait.ge [sflag:s10], $0xC800  }
0x2f4: {  	[sflag:s10] =	ssyncset.done $0x0  }
0x2f5: {  	[sflag:s10] =	ssyncadd.s32 $0xFFFF3800  }
0x2f6: {  	_ =	sfence.sel $0x180000  }
0x2f7: {  	[bflag:$0x0] =	sbarrier.arrive $0xFFFF  }
0x2f8: {  	_ =	strace $0x90000047  }
0x2f9: {  	[bflag:$0x2] =	sbarrier.arrive $0xFFFF  }
0x2fa: {  	p0 =	sne.s32 s4, $0x0;
	s0 =	rddreg [dreg:$0x2]  }
0x2fb: {  	s0 =	sadd.s32 @!p0 $0x100000, s0  }
0x2fc: {  	[sflag:s0] =	ssyncadd.tile.s32 @!p0 $0x1;
	_ =	shalt  }
.LBB2_1:
.Ltmp3:
0x2fd: {  	(pc) =	sbr.rel .LBB2_6-.Ltmp3, $4  }
0x2fe: {  	_ = 	snop  }
0x2ff: {  	s26 =	sld [smem:$0x7F8]  }
0x300: {  	s30 =	sld [smem:$0x7F9]  }
0x301: {  	s3 =	sld [smem:$0x7FA];
	s4 =	stileid.u32  }
.LBB2_7:
.Ltmp4:
0x302: {  	(pc) =	sbr.rel .LBB2_6-.Ltmp4, $4  }
0x303: {  	s26 =	sld [smem:$0x7F8]  }
0x304: {  	s30 =	sld [smem:$0x7F9]  }
0x305: {  	s3 =	sld [smem:$0x7FA]  }
0x306: {  	s4 =	stileid.u32;
	s29 =	sld [smem:$0x7F7]  }
.Lfunc_end2:
_tile_overlayer_lowered:
.L_overlay_start_2:
0x307: {  	(tag) =	ssettag $0x2  }
0x308: {  	s0 =	rddreg [dreg:$0x0];
	s2 =	stileid.u32  }
0x309: {  	s1 =	rddreg [dreg:$0x1];
	p0 =	sne.s32 s2, $0x0  }
0x30a: {  	s3 =	rddreg [dreg:$0x2];
	[bflag:$0x3] =	sbarrier.arrive $0xFFFF;
	s2 =	simm.s32 @!p0 $0x1C05  }
0x30b: {  	[timem:s3], [sflag:s2] =	dma.local @!p0 [hbm:s0], s1  }
0x30c: {  	s0 =	simm.s32 @!p0 $0x5  }
0x30d: {  	_ =	swait.ge @!p0 [sflag:s0], s1  }
0x30e: {  	s1 =	ssub.s32 @!p0 $0x0, s1;
	[sflag:s0] =	ssyncset.done @!p0 $0x0  }
0x30f: {  	[sflag:s0] =	ssyncadd.s32 @!p0 s1  }
0x310: {  	[bflag:$0x3] =	sbarrier.arrive $0xFFFF  }
0x311: {  	_ =	shalt  }

</sc_bundles>
